<compile_context>
chip_gen: v7x
topology: tpu7x:2x2x1
jax: 0.10.2.dev20260603
libtpu: 0.0.44.dev20260713+nightly
codegen_flags: <defaults>
</compile_context>

<pallas_src>
import functools

import jax
import jax.numpy as jnp
from jax import lax
from jax.experimental import pallas as pl
from jax.experimental.pallas import tpu as pltpu
from jax.experimental.pallas import tpu_sc as plsc

B = 1024
L = 200
D = 64
NC = 2
NS = 16
NW = NC * NS
ROWS_PER_W = B // NW
RB = 1
NBLK = ROWS_PER_W // RB
BLK = RB * L
LANES = 16


def kernel(input, token_table, pos_table):
    idx_flat = input.reshape(B * L)
    tt_pad = jnp.pad(token_table, ((0, 0), (0, D)))
    mesh = plsc.VectorSubcoreMesh(core_axis_name="c", subcore_axis_name="s")

    @functools.partial(
        pl.kernel,
        out_type=jax.ShapeDtypeStruct((B * L, 2 * D), jnp.float32),
        mesh=mesh,
        compiler_params=pltpu.CompilerParams(use_tc_tiling_on_sc=False),
        scratch_types=[
            pltpu.VMEM((L * ROWS_PER_W,), jnp.int32),
            pltpu.VMEM((L, D), jnp.float32),
            pltpu.VMEM((BLK, 2 * D), jnp.float32),
            pltpu.VMEM((BLK, 2 * D), jnp.float32),
            pltpu.SemaphoreType.DMA,
            pltpu.SemaphoreType.DMA,
            pltpu.SemaphoreType.DMA,
            pltpu.SemaphoreType.DMA,
        ],
    )
    def emb_kernel(idx_hbm, tok_hbm, pos_hbm, out_hbm,
                   idx_v, pos_v, rows_a, rows_b, ga, gb, oa, ob):
        wid = lax.axis_index("s") * NC + lax.axis_index("c")
        base = wid * (L * ROWS_PER_W)
        pltpu.sync_copy(idx_hbm.at[pl.ds(base, L * ROWS_PER_W)], idx_v)
        pltpu.sync_copy(pos_hbm, pos_v)

        bufs = (rows_a, rows_b)
        gsems = (ga, gb)
        osems = (oa, ob)

        def issue_gather(blk, buf, gsem):
            pltpu.async_copy(tok_hbm.at[idx_v.at[pl.ds(blk * BLK, BLK)]],
                             buf, gsem)

        def wait_gather(buf, gsem):
            pltpu.make_async_copy(tok_hbm.at[idx_v.at[pl.ds(0, BLK)]],
                                  buf, gsem).wait()

        def wait_out(buf, osem):
            pltpu.make_async_copy(buf, out_hbm.at[pl.ds(base, BLK)],
                                  osem).wait()

        def add_pos(buf):
            for q in range(RB):
                @plsc.parallel_loop(0, L, unroll=4)
                def _add_row(i):
                    for j in range(0, D, LANES):
                        src = (pl.ds(i, 1), pl.ds(j, LANES))
                        dst = (pl.ds(q * L + i, 1), pl.ds(j, LANES))
                        buf.at[*dst][...] = (
                            buf.at[*dst][...] + pos_v.at[*src][...])

        issue_gather(0, rows_a, ga)

        @pl.loop(0, NBLK, step=2)
        def _blk(b0):
            for t in range(2):
                blk = b0 + t
                buf, gsem, osem = bufs[t], gsems[t], osems[t]
                nbuf, ngsem, nosem = bufs[1 - t], gsems[1 - t], osems[1 - t]

                @pl.when(blk >= 1)
                def _():
                    wait_out(nbuf, nosem)

                @pl.when(blk + 1 < NBLK)
                def _():
                    issue_gather(blk + 1, nbuf, ngsem)

                wait_gather(buf, gsem)
                add_pos(buf)
                pltpu.async_copy(
                    buf, out_hbm.at[pl.ds(base + blk * BLK, BLK)], osem)

        wait_out(rows_b, ob)

    out = emb_kernel(idx_flat, tt_pad, pos_table)
    return out.reshape(B, L, 2 * D)[:, :, :D]

# --- scband reference (transcript-rebuilt; emitter-appended) ---
"""Pipeline reference for scband-paramixer-embedding-5093831213595 (READ-ONLY COPY).

The authoritative reference and input builder live on the scoring server;
editing this copy changes nothing except your own understanding.
"""

import jax, jax.numpy as jnp
import numpy as np

VOCAB = 1000000
MAX_SEQ_LEN = 200
EMBED_DIM = 64
BATCH = 1024

def setup_inputs(seed: int = 0) -> dict:
    key = jax.random.key(seed)
    k1, k2, k3 = jax.random.split(key, 3)
    inp = jax.random.randint(k1, (BATCH, MAX_SEQ_LEN), 0, VOCAB, dtype=jnp.int64 if jax.config.jax_enable_x64 else jnp.int32).astype(jnp.int32)
    token_table = jax.random.uniform(k2, (VOCAB, EMBED_DIM), dtype=jnp.float32, minval=-0.1, maxval=0.1)
    pos_table = jax.random.uniform(k3, (MAX_SEQ_LEN, EMBED_DIM), dtype=jnp.float32, minval=-0.1, maxval=0.1)
    return {"input": inp, "token_table": token_table, "pos_table": pos_table}

def reference(input, token_table, pos_table):
    # token embedding lookup (gather)
    token_embed = jnp.take(token_table, input, axis=0)  # [B, L, D]
    # 'ape' absolute position embedding: pos_ids = arange(max_seq_len) expanded over batch
    pos_ids = jnp.arange(MAX_SEQ_LEN, dtype=jnp.int32)
    pos_embed = jnp.take(pos_table, pos_ids, axis=0)  # [L, D]
    embed = token_embed + pos_embed[None, :, :]
    # dropout with p=0.0 (eval / identity)
    return embed

if __name__ == "__main__":
    import jax
    _d = setup_inputs()
    print(jax.jit(kernel)(*tuple(_d.values())))

</pallas_src>

<mosaic_0001>
#map = affine_map<(d0, d1) -> (0)>
#map1 = affine_map<(d0, d1) -> (0, 0)>
module attributes {stable_mosaic.version = 14 : i64} {
  func.func @emb_kernel(%arg0: i32, %arg1: i32, %arg2: memref<204800xi32, #tpu.memory_space<hbm>>, %arg3: memref<1000000x128xf32, #tpu.memory_space<hbm>>, %arg4: memref<200x64xf32, #tpu.memory_space<hbm>>, %arg5: memref<204800x128xf32, #tpu.memory_space<hbm>>, %arg6: memref<6400xi32, #tpu.memory_space<vmem>>, %arg7: memref<200x64xf32, #tpu.memory_space<vmem>>, %arg8: memref<200x128xf32, #tpu.memory_space<vmem>>, %arg9: memref<200x128xf32, #tpu.memory_space<vmem>>, %arg10: memref<!tpu.dma_semaphore, #tpu.memory_space<semaphore_mem>>, %arg11: memref<!tpu.dma_semaphore, #tpu.memory_space<semaphore_mem>>, %arg12: memref<!tpu.dma_semaphore, #tpu.memory_space<semaphore_mem>>, %arg13: memref<!tpu.dma_semaphore, #tpu.memory_space<semaphore_mem>>) attributes {dimension_semantics = [#tpu.dimension_semantics<core_parallel>, #tpu.dimension_semantics<subcore_parallel>], iteration_bounds = array<i64: 2, 16>, scalar_prefetch = 0 : i64, scratch_operands = 8 : i64, tpu.core_type = #tpu.core_type<sc_vector_subcore>, window_params = [{transform_indices = #map}, {transform_indices = #map1}, {transform_indices = #map1}, {transform_indices = #map1}]} {
    %mul3A = arith.constant 2 : i32
    %mul3A_0 = arith.muli %arg1, %mul3A : i32
    %add3A = arith.addi %mul3A_0, %arg0 : i32
    %mul3A_1 = arith.constant 6400 : i32
    %mul3A_2 = arith.muli %add3A, %mul3A_1 : i32
    "tpu.region"() ({
      %run_scoped3A = tpu.sem_alloc : memref<!tpu.dma_semaphore, #tpu.memory_space<semaphore_mem>>
      %dma_start3A_14 = tpu.memref_slice %arg2[%mul3A_2] : memref<204800xi32, #tpu.memory_space<hbm>> -> memref<6400xi32, #tpu.memory_space<hbm>>
      %dma_start3A_15 = tpu.memref_slice %arg2[%mul3A_2] : memref<204800xi32, #tpu.memory_space<hbm>> -> memref<6400xi32, #tpu.memory_space<hbm>>
      tpu.enqueue_dma source(%dma_start3A_15 : memref<6400xi32, #tpu.memory_space<hbm>>) target(%arg6 : memref<6400xi32, #tpu.memory_space<vmem>>) target_semaphore(%run_scoped3A : memref<!tpu.dma_semaphore, #tpu.memory_space<semaphore_mem>>)
      %dma_wait3A_16 = tpu.memref_slice %arg2[%mul3A_2] : memref<204800xi32, #tpu.memory_space<hbm>> -> memref<6400xi32, #tpu.memory_space<hbm>>
      %dma_wait3A_17 = tpu.memref_slice %arg2[%mul3A_2] : memref<204800xi32, #tpu.memory_space<hbm>> -> memref<6400xi32, #tpu.memory_space<hbm>>
      tpu.wait_dma2 semaphore(%run_scoped3A : memref<!tpu.dma_semaphore, #tpu.memory_space<semaphore_mem>>) src(%dma_wait3A_17 : memref<6400xi32, #tpu.memory_space<hbm>>) dst(%arg6 : memref<6400xi32, #tpu.memory_space<vmem>>)
      tpu.yield
    }) : () -> ()
    "tpu.region"() ({
      %run_scoped3A = tpu.sem_alloc : memref<!tpu.dma_semaphore, #tpu.memory_space<semaphore_mem>>
      tpu.enqueue_dma source(%arg4 : memref<200x64xf32, #tpu.memory_space<hbm>>) target(%arg7 : memref<200x64xf32, #tpu.memory_space<vmem>>) target_semaphore(%run_scoped3A : memref<!tpu.dma_semaphore, #tpu.memory_space<semaphore_mem>>)
      tpu.wait_dma2 semaphore(%run_scoped3A : memref<!tpu.dma_semaphore, #tpu.memory_space<semaphore_mem>>) src(%arg4 : memref<200x64xf32, #tpu.memory_space<hbm>>) dst(%arg7 : memref<200x64xf32, #tpu.memory_space<vmem>>)
      tpu.yield
    }) : () -> ()
    %dma_start3A = arith.constant 0 : i32
    %dma_start3A_3 = tpu.memref_slice %arg6[%dma_start3A] : memref<6400xi32, #tpu.memory_space<vmem>> -> memref<200xi32, #tpu.memory_space<vmem>>
    %dma_start3A_4 = arith.constant 0 : i32
    %dma_start3A_5 = arith.constant 0 : i32
    %dma_start3A_6 = tpu.memref_slice %arg3[%dma_start3A_4, %dma_start3A_5] : memref<1000000x128xf32, #tpu.memory_space<hbm>> -> memref<1000000x128xf32, #tpu.memory_space<hbm>>
    tpu.enqueue_indirect_dma source(%dma_start3A_6 : memref<1000000x128xf32, #tpu.memory_space<hbm>>) target(%arg8 : memref<200x128xf32, #tpu.memory_space<vmem>>) offsets(%dma_start3A_3 : memref<200xi32, #tpu.memory_space<vmem>>) semaphore(%arg10 : memref<!tpu.dma_semaphore, #tpu.memory_space<semaphore_mem>>)
    %scan3A = arith.constant 0 : i32
    %scan3A_7 = arith.constant 16 : i32
    %scan3A_8 = arith.addi %scan3A, %scan3A_7 : i32
    %scan3A_9 = arith.constant 1 : i32
    scf.for %scan3A_14 = %scan3A to %scan3A_8 step %scan3A_9  : i32 {
      %mul3A_15 = arith.constant 2 : i32
      %mul3A_16 = arith.muli %scan3A_14, %mul3A_15 : i32
      %add3A_17 = arith.constant 0 : i32
      %add3A_18 = arith.addi %add3A_17, %mul3A_16 : i32
      %add3A_19 = arith.constant 0 : i32
      %add3A_20 = arith.addi %add3A_18, %add3A_19 : i32
      %ge3A = arith.constant 1 : i32
      %ge3A_21 = arith.cmpi sge, %add3A_20, %ge3A : i32
      %convert_element_type3A = arith.extui %ge3A_21 : i1 to i32
      %cond3A = arith.constant 0 : i32
      %cond3A_22 = arith.cmpi ne, %convert_element_type3A, %cond3A : i32
      scf.if %cond3A_22 {
        %dma_wait3A_72 = arith.constant 0 : i32
        %dma_wait3A_73 = tpu.memref_slice %arg5[%mul3A_2, %dma_wait3A_72] : memref<204800x128xf32, #tpu.memory_space<hbm>> -> memref<200x128xf32, #tpu.memory_space<hbm>>
        %dma_wait3A_74 = arith.constant 0 : i32
        %dma_wait3A_75 = tpu.memref_slice %arg5[%mul3A_2, %dma_wait3A_74] : memref<204800x128xf32, #tpu.memory_space<hbm>> -> memref<200x128xf32, #tpu.memory_space<hbm>>
        tpu.wait_dma2 semaphore(%arg13 : memref<!tpu.dma_semaphore, #tpu.memory_space<semaphore_mem>>) src(%arg9 : memref<200x128xf32, #tpu.memory_space<vmem>>) dst(%dma_wait3A_75 : memref<200x128xf32, #tpu.memory_space<hbm>>)
      } else {
      }
      %add3A_23 = arith.constant 1 : i32
      %add3A_24 = arith.addi %add3A_20, %add3A_23 : i32
      %lt3A = arith.constant 32 : i32
      %lt3A_25 = arith.cmpi slt, %add3A_24, %lt3A : i32
      %convert_element_type3A_26 = arith.extui %lt3A_25 : i1 to i32
      %cond3A_27 = arith.constant 0 : i32
      %cond3A_28 = arith.cmpi ne, %convert_element_type3A_26, %cond3A_27 : i32
      scf.if %cond3A_28 {
        %add3A_72 = arith.constant 1 : i32
        %add3A_73 = arith.addi %add3A_20, %add3A_72 : i32
        %mul3A_74 = arith.constant 200 : i32
        %mul3A_75 = arith.muli %add3A_73, %mul3A_74 : i32
        %dma_start3A_76 = tpu.memref_slice %arg6[%mul3A_75] : memref<6400xi32, #tpu.memory_space<vmem>> -> memref<200xi32, #tpu.memory_space<vmem>>
        %dma_start3A_77 = arith.constant 0 : i32
        %dma_start3A_78 = arith.constant 0 : i32
        %dma_start3A_79 = tpu.memref_slice %arg3[%dma_start3A_77, %dma_start3A_78] : memref<1000000x128xf32, #tpu.memory_space<hbm>> -> memref<1000000x128xf32, #tpu.memory_space<hbm>>
        tpu.enqueue_indirect_dma source(%dma_start3A_79 : memref<1000000x128xf32, #tpu.memory_space<hbm>>) target(%arg9 : memref<200x128xf32, #tpu.memory_space<vmem>>) offsets(%dma_start3A_76 : memref<200xi32, #tpu.memory_space<vmem>>) semaphore(%arg11 : memref<!tpu.dma_semaphore, #tpu.memory_space<semaphore_mem>>)
      } else {
      }
      %dma_wait3A_29 = arith.constant 0 : i32
      %dma_wait3A_30 = tpu.memref_slice %arg6[%dma_wait3A_29] : memref<6400xi32, #tpu.memory_space<vmem>> -> memref<200xi32, #tpu.memory_space<vmem>>
      %dma_wait3A_31 = arith.constant 0 : i32
      %dma_wait3A_32 = arith.constant 0 : i32
      %dma_wait3A_33 = tpu.memref_slice %arg3[%dma_wait3A_31, %dma_wait3A_32] : memref<1000000x128xf32, #tpu.memory_space<hbm>> -> memref<1000000x128xf32, #tpu.memory_space<hbm>>
      tpu.wait_indirect_dma semaphore(%arg10 : memref<!tpu.dma_semaphore, #tpu.memory_space<semaphore_mem>>) src(%dma_wait3A_33 : memref<1000000x128xf32, #tpu.memory_space<hbm>>) dst(%arg8 : memref<200x128xf32, #tpu.memory_space<vmem>>)
      %parallel_loop3A = arith.constant 0 : i32
      %parallel_loop3A_34 = arith.constant 200 : i32
      %parallel_loop3A_35 = arith.constant 1 : i32
      scf.for %parallel_loop3A_72 = %parallel_loop3A to %parallel_loop3A_34 step %parallel_loop3A_35  : i32 {
        %parallel_loop3A_73 = arith.constant 0 : i32
        %parallel_loop3A_74 = arith.addi %parallel_loop3A_73, %parallel_loop3A_72 : i32
        %parallel_loop3A_75 = arith.index_cast %parallel_loop3A_74 : i32 to index
        %parallel_loop3A_76 = arith.constant 0 : index
        %parallel_loop3A_77 = tpu.vector_load %arg8[%parallel_loop3A_75, %parallel_loop3A_76] {strides = array<i32>} : memref<200x128xf32, #tpu.memory_space<vmem>>, vector<1x16xf32>,
        %parallel_loop3A_78 = vector.shape_cast %parallel_loop3A_77 : vector<1x16xf32> to vector<1x16xf32>
        %parallel_loop3A_79 = arith.index_cast %parallel_loop3A_72 : i32 to index
        %parallel_loop3A_80 = arith.constant 0 : index
        %parallel_loop3A_81 = tpu.vector_load %arg7[%parallel_loop3A_79, %parallel_loop3A_80] {strides = array<i32>} : memref<200x64xf32, #tpu.memory_space<vmem>>, vector<1x16xf32>,
        %parallel_loop3A_82 = vector.shape_cast %parallel_loop3A_81 : vector<1x16xf32> to vector<1x16xf32>
        %parallel_loop3A_83 = arith.addf %parallel_loop3A_78, %parallel_loop3A_82 : vector<1x16xf32>
        %parallel_loop3A_84 = arith.index_cast %parallel_loop3A_74 : i32 to index
        %parallel_loop3A_85 = arith.constant 0 : index
        %parallel_loop3A_86 = tpu.vector_load %arg8[%parallel_loop3A_84, %parallel_loop3A_85] {strides = array<i32>} : memref<200x128xf32, #tpu.memory_space<vmem>>, vector<1x16xf32>,
        %parallel_loop3A_87 = vector.shape_cast %parallel_loop3A_86 : vector<1x16xf32> to vector<1x16xf32>
        %parallel_loop3A_88 = vector.shape_cast %parallel_loop3A_83 : vector<1x16xf32> to vector<1x16xf32>
        tpu.vector_store %arg8[%parallel_loop3A_84, %parallel_loop3A_85], %parallel_loop3A_88 {strides = array<i32>} : memref<200x128xf32, #tpu.memory_space<vmem>>, vector<1x16xf32>,
        %parallel_loop3A_89 = arith.constant 0 : i32
        %parallel_loop3A_90 = arith.addi %parallel_loop3A_89, %parallel_loop3A_72 : i32
        %parallel_loop3A_91 = arith.index_cast %parallel_loop3A_90 : i32 to index
        %parallel_loop3A_92 = arith.constant 16 : index
        %parallel_loop3A_93 = tpu.vector_load %arg8[%parallel_loop3A_91, %parallel_loop3A_92] {strides = array<i32>} : memref<200x128xf32, #tpu.memory_space<vmem>>, vector<1x16xf32>,
        %parallel_loop3A_94 = vector.shape_cast %parallel_loop3A_93 : vector<1x16xf32> to vector<1x16xf32>
        %parallel_loop3A_95 = arith.index_cast %parallel_loop3A_72 : i32 to index
        %parallel_loop3A_96 = arith.constant 16 : index
        %parallel_loop3A_97 = tpu.vector_load %arg7[%parallel_loop3A_95, %parallel_loop3A_96] {strides = array<i32>} : memref<200x64xf32, #tpu.memory_space<vmem>>, vector<1x16xf32>,
        %parallel_loop3A_98 = vector.shape_cast %parallel_loop3A_97 : vector<1x16xf32> to vector<1x16xf32>
        %parallel_loop3A_99 = arith.addf %parallel_loop3A_94, %parallel_loop3A_98 : vector<1x16xf32>
        %parallel_loop3A_100 = arith.index_cast %parallel_loop3A_90 : i32 to index
        %parallel_loop3A_101 = arith.constant 16 : index
        %parallel_loop3A_102 = tpu.vector_load %arg8[%parallel_loop3A_100, %parallel_loop3A_101] {strides = array<i32>} : memref<200x128xf32, #tpu.memory_space<vmem>>, vector<1x16xf32>,
        %parallel_loop3A_103 = vector.shape_cast %parallel_loop3A_102 : vector<1x16xf32> to vector<1x16xf32>
        %parallel_loop3A_104 = vector.shape_cast %parallel_loop3A_99 : vector<1x16xf32> to vector<1x16xf32>
        tpu.vector_store %arg8[%parallel_loop3A_100, %parallel_loop3A_101], %parallel_loop3A_104 {strides = array<i32>} : memref<200x128xf32, #tpu.memory_space<vmem>>, vector<1x16xf32>,
        %parallel_loop3A_105 = arith.constant 0 : i32
        %parallel_loop3A_106 = arith.addi %parallel_loop3A_105, %parallel_loop3A_72 : i32
        %parallel_loop3A_107 = arith.index_cast %parallel_loop3A_106 : i32 to index
        %parallel_loop3A_108 = arith.constant 32 : index
        %parallel_loop3A_109 = tpu.vector_load %arg8[%parallel_loop3A_107, %parallel_loop3A_108] {strides = array<i32>} : memref<200x128xf32, #tpu.memory_space<vmem>>, vector<1x16xf32>,
        %parallel_loop3A_110 = vector.shape_cast %parallel_loop3A_109 : vector<1x16xf32> to vector<1x16xf32>
        %parallel_loop3A_111 = arith.index_cast %parallel_loop3A_72 : i32 to index
        %parallel_loop3A_112 = arith.constant 32 : index
        %parallel_loop3A_113 = tpu.vector_load %arg7[%parallel_loop3A_111, %parallel_loop3A_112] {strides = array<i32>} : memref<200x64xf32, #tpu.memory_space<vmem>>, vector<1x16xf32>,
        %parallel_loop3A_114 = vector.shape_cast %parallel_loop3A_113 : vector<1x16xf32> to vector<1x16xf32>
        %parallel_loop3A_115 = arith.addf %parallel_loop3A_110, %parallel_loop3A_114 : vector<1x16xf32>
        %parallel_loop3A_116 = arith.index_cast %parallel_loop3A_106 : i32 to index
        %parallel_loop3A_117 = arith.constant 32 : index
        %parallel_loop3A_118 = tpu.vector_load %arg8[%parallel_loop3A_116, %parallel_loop3A_117] {strides = array<i32>} : memref<200x128xf32, #tpu.memory_space<vmem>>, vector<1x16xf32>,
        %parallel_loop3A_119 = vector.shape_cast %parallel_loop3A_118 : vector<1x16xf32> to vector<1x16xf32>
        %parallel_loop3A_120 = vector.shape_cast %parallel_loop3A_115 : vector<1x16xf32> to vector<1x16xf32>
        tpu.vector_store %arg8[%parallel_loop3A_116, %parallel_loop3A_117], %parallel_loop3A_120 {strides = array<i32>} : memref<200x128xf32, #tpu.memory_space<vmem>>, vector<1x16xf32>,
        %parallel_loop3A_121 = arith.constant 0 : i32
        %parallel_loop3A_122 = arith.addi %parallel_loop3A_121, %parallel_loop3A_72 : i32
        %parallel_loop3A_123 = arith.index_cast %parallel_loop3A_122 : i32 to index
        %parallel_loop3A_124 = arith.constant 48 : index
        %parallel_loop3A_125 = tpu.vector_load %arg8[%parallel_loop3A_123, %parallel_loop3A_124] {strides = array<i32>} : memref<200x128xf32, #tpu.memory_space<vmem>>, vector<1x16xf32>,
        %parallel_loop3A_126 = vector.shape_cast %parallel_loop3A_125 : vector<1x16xf32> to vector<1x16xf32>
        %parallel_loop3A_127 = arith.index_cast %parallel_loop3A_72 : i32 to index
        %parallel_loop3A_128 = arith.constant 48 : index
        %parallel_loop3A_129 = tpu.vector_load %arg7[%parallel_loop3A_127, %parallel_loop3A_128] {strides = array<i32>} : memref<200x64xf32, #tpu.memory_space<vmem>>, vector<1x16xf32>,
        %parallel_loop3A_130 = vector.shape_cast %parallel_loop3A_129 : vector<1x16xf32> to vector<1x16xf32>
        %parallel_loop3A_131 = arith.addf %parallel_loop3A_126, %parallel_loop3A_130 : vector<1x16xf32>
        %parallel_loop3A_132 = arith.index_cast %parallel_loop3A_122 : i32 to index
        %parallel_loop3A_133 = arith.constant 48 : index
        %parallel_loop3A_134 = tpu.vector_load %arg8[%parallel_loop3A_132, %parallel_loop3A_133] {strides = array<i32>} : memref<200x128xf32, #tpu.memory_space<vmem>>, vector<1x16xf32>,
        %parallel_loop3A_135 = vector.shape_cast %parallel_loop3A_134 : vector<1x16xf32> to vector<1x16xf32>
        %parallel_loop3A_136 = vector.shape_cast %parallel_loop3A_131 : vector<1x16xf32> to vector<1x16xf32>
        tpu.vector_store %arg8[%parallel_loop3A_132, %parallel_loop3A_133], %parallel_loop3A_136 {strides = array<i32>} : memref<200x128xf32, #tpu.memory_space<vmem>>, vector<1x16xf32>,
      } {sc.loop_unroll_factor = 4 : i64, sc.parallel_access}
      %mul3A_36 = arith.constant 200 : i32
      %mul3A_37 = arith.muli %add3A_20, %mul3A_36 : i32
      %add3A_38 = arith.addi %mul3A_2, %mul3A_37 : i32
      %dma_start3A_39 = arith.constant 0 : i32
      %dma_start3A_40 = tpu.memref_slice %arg5[%add3A_38, %dma_start3A_39] : memref<204800x128xf32, #tpu.memory_space<hbm>> -> memref<200x128xf32, #tpu.memory_space<hbm>>
      %dma_start3A_41 = arith.constant 0 : i32
      %dma_start3A_42 = tpu.memref_slice %arg5[%add3A_38, %dma_start3A_41] : memref<204800x128xf32, #tpu.memory_space<hbm>> -> memref<200x128xf32, #tpu.memory_space<hbm>>
      tpu.enqueue_dma source(%arg8 : memref<200x128xf32, #tpu.memory_space<vmem>>) target(%dma_start3A_42 : memref<200x128xf32, #tpu.memory_space<hbm>>) target_semaphore(%arg12 : memref<!tpu.dma_semaphore, #tpu.memory_space<semaphore_mem>>)
      %add3A_43 = arith.constant 1 : i32
      %add3A_44 = arith.addi %add3A_18, %add3A_43 : i32
      %ge3A_45 = arith.constant 1 : i32
      %ge3A_46 = arith.cmpi sge, %add3A_44, %ge3A_45 : i32
      %convert_element_type3A_47 = arith.extui %ge3A_46 : i1 to i32
      %cond3A_48 = arith.constant 0 : i32
      %cond3A_49 = arith.cmpi ne, %convert_element_type3A_47, %cond3A_48 : i32
      scf.if %cond3A_49 {
        %dma_wait3A_72 = arith.constant 0 : i32
        %dma_wait3A_73 = tpu.memref_slice %arg5[%mul3A_2, %dma_wait3A_72] : memref<204800x128xf32, #tpu.memory_space<hbm>> -> memref<200x128xf32, #tpu.memory_space<hbm>>
        %dma_wait3A_74 = arith.constant 0 : i32
        %dma_wait3A_75 = tpu.memref_slice %arg5[%mul3A_2, %dma_wait3A_74] : memref<204800x128xf32, #tpu.memory_space<hbm>> -> memref<200x128xf32, #tpu.memory_space<hbm>>
        tpu.wait_dma2 semaphore(%arg12 : memref<!tpu.dma_semaphore, #tpu.memory_space<semaphore_mem>>) src(%arg8 : memref<200x128xf32, #tpu.memory_space<vmem>>) dst(%dma_wait3A_75 : memref<200x128xf32, #tpu.memory_space<hbm>>)
      } else {
      }
      %add3A_50 = arith.constant 1 : i32
      %add3A_51 = arith.addi %add3A_44, %add3A_50 : i32
      %lt3A_52 = arith.constant 32 : i32
      %lt3A_53 = arith.cmpi slt, %add3A_51, %lt3A_52 : i32
      %convert_element_type3A_54 = arith.extui %lt3A_53 : i1 to i32
      %cond3A_55 = arith.constant 0 : i32
      %cond3A_56 = arith.cmpi ne, %convert_element_type3A_54, %cond3A_55 : i32
      scf.if %cond3A_56 {
        %add3A_72 = arith.constant 1 : i32
        %add3A_73 = arith.addi %add3A_44, %add3A_72 : i32
        %mul3A_74 = arith.constant 200 : i32
        %mul3A_75 = arith.muli %add3A_73, %mul3A_74 : i32
        %dma_start3A_76 = tpu.memref_slice %arg6[%mul3A_75] : memref<6400xi32, #tpu.memory_space<vmem>> -> memref<200xi32, #tpu.memory_space<vmem>>
        %dma_start3A_77 = arith.constant 0 : i32
        %dma_start3A_78 = arith.constant 0 : i32
        %dma_start3A_79 = tpu.memref_slice %arg3[%dma_start3A_77, %dma_start3A_78] : memref<1000000x128xf32, #tpu.memory_space<hbm>> -> memref<1000000x128xf32, #tpu.memory_space<hbm>>
        tpu.enqueue_indirect_dma source(%dma_start3A_79 : memref<1000000x128xf32, #tpu.memory_space<hbm>>) target(%arg8 : memref<200x128xf32, #tpu.memory_space<vmem>>) offsets(%dma_start3A_76 : memref<200xi32, #tpu.memory_space<vmem>>) semaphore(%arg10 : memref<!tpu.dma_semaphore, #tpu.memory_space<semaphore_mem>>)
      } else {
      }
      %dma_wait3A_57 = arith.constant 0 : i32
      %dma_wait3A_58 = tpu.memref_slice %arg6[%dma_wait3A_57] : memref<6400xi32, #tpu.memory_space<vmem>> -> memref<200xi32, #tpu.memory_space<vmem>>
      %dma_wait3A_59 = arith.constant 0 : i32
      %dma_wait3A_60 = arith.constant 0 : i32
      %dma_wait3A_61 = tpu.memref_slice %arg3[%dma_wait3A_59, %dma_wait3A_60] : memref<1000000x128xf32, #tpu.memory_space<hbm>> -> memref<1000000x128xf32, #tpu.memory_space<hbm>>
      tpu.wait_indirect_dma semaphore(%arg11 : memref<!tpu.dma_semaphore, #tpu.memory_space<semaphore_mem>>) src(%dma_wait3A_61 : memref<1000000x128xf32, #tpu.memory_space<hbm>>) dst(%arg9 : memref<200x128xf32, #tpu.memory_space<vmem>>)
      %parallel_loop3A_62 = arith.constant 0 : i32
      %parallel_loop3A_63 = arith.constant 200 : i32
      %parallel_loop3A_64 = arith.constant 1 : i32
      scf.for %parallel_loop3A_72 = %parallel_loop3A_62 to %parallel_loop3A_63 step %parallel_loop3A_64  : i32 {
        %parallel_loop3A_73 = arith.constant 0 : i32
        %parallel_loop3A_74 = arith.addi %parallel_loop3A_73, %parallel_loop3A_72 : i32
        %parallel_loop3A_75 = arith.index_cast %parallel_loop3A_74 : i32 to index
        %parallel_loop3A_76 = arith.constant 0 : index
        %parallel_loop3A_77 = tpu.vector_load %arg9[%parallel_loop3A_75, %parallel_loop3A_76] {strides = array<i32>} : memref<200x128xf32, #tpu.memory_space<vmem>>, vector<1x16xf32>,
        %parallel_loop3A_78 = vector.shape_cast %parallel_loop3A_77 : vector<1x16xf32> to vector<1x16xf32>
        %parallel_loop3A_79 = arith.index_cast %parallel_loop3A_72 : i32 to index
        %parallel_loop3A_80 = arith.constant 0 : index
        %parallel_loop3A_81 = tpu.vector_load %arg7[%parallel_loop3A_79, %parallel_loop3A_80] {strides = array<i32>} : memref<200x64xf32, #tpu.memory_space<vmem>>, vector<1x16xf32>,
        %parallel_loop3A_82 = vector.shape_cast %parallel_loop3A_81 : vector<1x16xf32> to vector<1x16xf32>
        %parallel_loop3A_83 = arith.addf %parallel_loop3A_78, %parallel_loop3A_82 : vector<1x16xf32>
        %parallel_loop3A_84 = arith.index_cast %parallel_loop3A_74 : i32 to index
        %parallel_loop3A_85 = arith.constant 0 : index
        %parallel_loop3A_86 = tpu.vector_load %arg9[%parallel_loop3A_84, %parallel_loop3A_85] {strides = array<i32>} : memref<200x128xf32, #tpu.memory_space<vmem>>, vector<1x16xf32>,
        %parallel_loop3A_87 = vector.shape_cast %parallel_loop3A_86 : vector<1x16xf32> to vector<1x16xf32>
        %parallel_loop3A_88 = vector.shape_cast %parallel_loop3A_83 : vector<1x16xf32> to vector<1x16xf32>
        tpu.vector_store %arg9[%parallel_loop3A_84, %parallel_loop3A_85], %parallel_loop3A_88 {strides = array<i32>} : memref<200x128xf32, #tpu.memory_space<vmem>>, vector<1x16xf32>,
        %parallel_loop3A_89 = arith.constant 0 : i32
        %parallel_loop3A_90 = arith.addi %parallel_loop3A_89, %parallel_loop3A_72 : i32
        %parallel_loop3A_91 = arith.index_cast %parallel_loop3A_90 : i32 to index
        %parallel_loop3A_92 = arith.constant 16 : index
        %parallel_loop3A_93 = tpu.vector_load %arg9[%parallel_loop3A_91, %parallel_loop3A_92] {strides = array<i32>} : memref<200x128xf32, #tpu.memory_space<vmem>>, vector<1x16xf32>,
        %parallel_loop3A_94 = vector.shape_cast %parallel_loop3A_93 : vector<1x16xf32> to vector<1x16xf32>
        %parallel_loop3A_95 = arith.index_cast %parallel_loop3A_72 : i32 to index
        %parallel_loop3A_96 = arith.constant 16 : index
        %parallel_loop3A_97 = tpu.vector_load %arg7[%parallel_loop3A_95, %parallel_loop3A_96] {strides = array<i32>} : memref<200x64xf32, #tpu.memory_space<vmem>>, vector<1x16xf32>,
        %parallel_loop3A_98 = vector.shape_cast %parallel_loop3A_97 : vector<1x16xf32> to vector<1x16xf32>
        %parallel_loop3A_99 = arith.addf %parallel_loop3A_94, %parallel_loop3A_98 : vector<1x16xf32>
        %parallel_loop3A_100 = arith.index_cast %parallel_loop3A_90 : i32 to index
        %parallel_loop3A_101 = arith.constant 16 : index
        %parallel_loop3A_102 = tpu.vector_load %arg9[%parallel_loop3A_100, %parallel_loop3A_101] {strides = array<i32>} : memref<200x128xf32, #tpu.memory_space<vmem>>, vector<1x16xf32>,
        %parallel_loop3A_103 = vector.shape_cast %parallel_loop3A_102 : vector<1x16xf32> to vector<1x16xf32>
        %parallel_loop3A_104 = vector.shape_cast %parallel_loop3A_99 : vector<1x16xf32> to vector<1x16xf32>
        tpu.vector_store %arg9[%parallel_loop3A_100, %parallel_loop3A_101], %parallel_loop3A_104 {strides = array<i32>} : memref<200x128xf32, #tpu.memory_space<vmem>>, vector<1x16xf32>,
        %parallel_loop3A_105 = arith.constant 0 : i32
        %parallel_loop3A_106 = arith.addi %parallel_loop3A_105, %parallel_loop3A_72 : i32
        %parallel_loop3A_107 = arith.index_cast %parallel_loop3A_106 : i32 to index
        %parallel_loop3A_108 = arith.constant 32 : index
        %parallel_loop3A_109 = tpu.vector_load %arg9[%parallel_loop3A_107, %parallel_loop3A_108] {strides = array<i32>} : memref<200x128xf32, #tpu.memory_space<vmem>>, vector<1x16xf32>,
        %parallel_loop3A_110 = vector.shape_cast %parallel_loop3A_109 : vector<1x16xf32> to vector<1x16xf32>
        %parallel_loop3A_111 = arith.index_cast %parallel_loop3A_72 : i32 to index
        %parallel_loop3A_112 = arith.constant 32 : index
        %parallel_loop3A_113 = tpu.vector_load %arg7[%parallel_loop3A_111, %parallel_loop3A_112] {strides = array<i32>} : memref<200x64xf32, #tpu.memory_space<vmem>>, vector<1x16xf32>,
        %parallel_loop3A_114 = vector.shape_cast %parallel_loop3A_113 : vector<1x16xf32> to vector<1x16xf32>
        %parallel_loop3A_115 = arith.addf %parallel_loop3A_110, %parallel_loop3A_114 : vector<1x16xf32>
        %parallel_loop3A_116 = arith.index_cast %parallel_loop3A_106 : i32 to index
        %parallel_loop3A_117 = arith.constant 32 : index
        %parallel_loop3A_118 = tpu.vector_load %arg9[%parallel_loop3A_116, %parallel_loop3A_117] {strides = array<i32>} : memref<200x128xf32, #tpu.memory_space<vmem>>, vector<1x16xf32>,
        %parallel_loop3A_119 = vector.shape_cast %parallel_loop3A_118 : vector<1x16xf32> to vector<1x16xf32>
        %parallel_loop3A_120 = vector.shape_cast %parallel_loop3A_115 : vector<1x16xf32> to vector<1x16xf32>
        tpu.vector_store %arg9[%parallel_loop3A_116, %parallel_loop3A_117], %parallel_loop3A_120 {strides = array<i32>} : memref<200x128xf32, #tpu.memory_space<vmem>>, vector<1x16xf32>,
        %parallel_loop3A_121 = arith.constant 0 : i32
        %parallel_loop3A_122 = arith.addi %parallel_loop3A_121, %parallel_loop3A_72 : i32
        %parallel_loop3A_123 = arith.index_cast %parallel_loop3A_122 : i32 to index
        %parallel_loop3A_124 = arith.constant 48 : index
        %parallel_loop3A_125 = tpu.vector_load %arg9[%parallel_loop3A_123, %parallel_loop3A_124] {strides = array<i32>} : memref<200x128xf32, #tpu.memory_space<vmem>>, vector<1x16xf32>,
        %parallel_loop3A_126 = vector.shape_cast %parallel_loop3A_125 : vector<1x16xf32> to vector<1x16xf32>
        %parallel_loop3A_127 = arith.index_cast %parallel_loop3A_72 : i32 to index
        %parallel_loop3A_128 = arith.constant 48 : index
        %parallel_loop3A_129 = tpu.vector_load %arg7[%parallel_loop3A_127, %parallel_loop3A_128] {strides = array<i32>} : memref<200x64xf32, #tpu.memory_space<vmem>>, vector<1x16xf32>,
        %parallel_loop3A_130 = vector.shape_cast %parallel_loop3A_129 : vector<1x16xf32> to vector<1x16xf32>
        %parallel_loop3A_131 = arith.addf %parallel_loop3A_126, %parallel_loop3A_130 : vector<1x16xf32>
        %parallel_loop3A_132 = arith.index_cast %parallel_loop3A_122 : i32 to index
        %parallel_loop3A_133 = arith.constant 48 : index
        %parallel_loop3A_134 = tpu.vector_load %arg9[%parallel_loop3A_132, %parallel_loop3A_133] {strides = array<i32>} : memref<200x128xf32, #tpu.memory_space<vmem>>, vector<1x16xf32>,
        %parallel_loop3A_135 = vector.shape_cast %parallel_loop3A_134 : vector<1x16xf32> to vector<1x16xf32>
        %parallel_loop3A_136 = vector.shape_cast %parallel_loop3A_131 : vector<1x16xf32> to vector<1x16xf32>
        tpu.vector_store %arg9[%parallel_loop3A_132, %parallel_loop3A_133], %parallel_loop3A_136 {strides = array<i32>} : memref<200x128xf32, #tpu.memory_space<vmem>>, vector<1x16xf32>,
      } {sc.loop_unroll_factor = 4 : i64, sc.parallel_access}
      %mul3A_65 = arith.constant 200 : i32
      %mul3A_66 = arith.muli %add3A_44, %mul3A_65 : i32
      %add3A_67 = arith.addi %mul3A_2, %mul3A_66 : i32
      %dma_start3A_68 = arith.constant 0 : i32
      %dma_start3A_69 = tpu.memref_slice %arg5[%add3A_67, %dma_start3A_68] : memref<204800x128xf32, #tpu.memory_space<hbm>> -> memref<200x128xf32, #tpu.memory_space<hbm>>
      %dma_start3A_70 = arith.constant 0 : i32
      %dma_start3A_71 = tpu.memref_slice %arg5[%add3A_67, %dma_start3A_70] : memref<204800x128xf32, #tpu.memory_space<hbm>> -> memref<200x128xf32, #tpu.memory_space<hbm>>
      tpu.enqueue_dma source(%arg9 : memref<200x128xf32, #tpu.memory_space<vmem>>) target(%dma_start3A_71 : memref<200x128xf32, #tpu.memory_space<hbm>>) target_semaphore(%arg13 : memref<!tpu.dma_semaphore, #tpu.memory_space<semaphore_mem>>)
    }
    %scan3A_10 = arith.constant 16 : i32
    %dma_wait3A = arith.constant 0 : i32
    %dma_wait3A_11 = tpu.memref_slice %arg5[%mul3A_2, %dma_wait3A] : memref<204800x128xf32, #tpu.memory_space<hbm>> -> memref<200x128xf32, #tpu.memory_space<hbm>>
    %dma_wait3A_12 = arith.constant 0 : i32
    %dma_wait3A_13 = tpu.memref_slice %arg5[%mul3A_2, %dma_wait3A_12] : memref<204800x128xf32, #tpu.memory_space<hbm>> -> memref<200x128xf32, #tpu.memory_space<hbm>>
    tpu.wait_dma2 semaphore(%arg13 : memref<!tpu.dma_semaphore, #tpu.memory_space<semaphore_mem>>) src(%arg9 : memref<200x128xf32, #tpu.memory_space<vmem>>) dst(%dma_wait3A_13 : memref<200x128xf32, #tpu.memory_space<hbm>>)
    return
  }
}

</mosaic_0001>

<sc_bundles>
// kernel: kernel.3.cloned.1.call-start
scs
__scs_entry_jumppad:
0x0: {  	(pc) =	sbr.rel $0x88, $3  }
0x1: {  	(tag) =	ssettag $0x0;
	lr =	simm.s32 $0x1  }
0x2: {  	[smem:$0x3F9E] =	sst lr;
	_ =	strace $0xD0000000  }
0x3: {  	_ = 	snop  }
0x4: {  	_ = 	snop  }
0x5: {  	_ = 	snop  }
0x6: {  	_ = 	snop  }
0x7: {  	_ = 	snop  }
__scs_overlays_trampoline_lowered:
0x8: {  	[smem:$0x3FAD] =	sst s0  }
0x9: {  	[smem:$0x3FAE] =	sst s1  }
0xa: {  	[smem:$0x3FAF] =	sst s2  }
0xb: {  	[smem:$0x3FB0] =	sst s3  }
0xc: {  	[smem:$0x3FB1] =	sst s4  }
0xd: {  	[smem:$0x3FB2] =	sst s5  }
0xe: {  	[smem:$0x3FB3] =	sst s6  }
0xf: {  	[smem:$0x3FB4] =	sst s7  }
0x10: {  	[smem:$0x3FB5] =	sst s8  }
0x11: {  	[smem:$0x3FB6] =	sst s9;
	s0 =	simm.s32 @!p0 $0x0  }
0x12: {  	s1 =	sld [smem:$0x3F9C];
	s0 =	simm.s32 @p0 $0x1  }
0x13: {  	[smem:$0x3FB7] =	sst s0;
	s0 =	simm.s32 @!p1 $0x0  }
0x14: {  	s2 =	sld [smem:$0x3F9B];
	s0 =	simm.s32 @p1 $0x1  }
0x15: {  	[smem:$0x3FB8] =	sst s0;
	s0 =	simm.s32 @!p2 $0x0  }
0x16: {  	s3 =	sld [smem:$0x3FDB];
	s0 =	simm.s32 @p2 $0x1  }
0x17: {  	s4 =	simm.s32 $0x1BF5;
	[smem:$0x3FBA] =	sst s0  }
0x18: {  	s0 =	sld [smem:$0x3F9D];
	_ =	swait.ge [sflag:s4], $0x0  }
0x19: {  	s7 =	sld [smem:$0x3F9E]  }
0x1a: {  	s8 =	sadd.s32 $0xFFFFE003, lr  }
0x1b: {  	s9 =	sadd.s32 $0xFFFFFEF7, lr;
	s5 =	simm.s32 $0xFFFFFFFF;
	p2 =	slt.u32 s8, $0xFFFFF086  }
0x1c: {  	p1 =	slt.u32 s9, $0xF7A;
	s5 =	simm.s32 @!p2 $0x0  }
0x1d: {  	s5 =	simm.s32 @p1 $0x1;
	p0 =	seq.s32 s7, s2  }
0x1e: {  	s7 =	smul.u32 @!p0 $0xF7A, s2;
	p2 =	seq.s32 @!p0 s5, $0x0  }
0x1f: {  	s9 =	smul.u32 $0xF7A, s1;
	s8 =	simm.s32 @!p0 $0x1BF5;
	p2 =	por !p2, p0  }
0x20: {  	[sflag:s8] =	ssyncset.s32 @!p0 $0xFFFFF086;
	s6 =	sadd.s32 @!p0 s3, s7;
	s7 =	simm.s32 @!p0 $0x108  }
0x21: {  	s3 =	sadd.s32 s3, s9;
	s6 =	sadd.s32 @!p0 $0x88, s6;
	s7 =	simm.s32 @p2 $0x1082  }
0x22: {  	[simem:s7], [sflag:s8] =	dma.local @!p0 [hbm:s6], $0xF7A  }
0x23: {  	s9 =	sor.u32 $0xD0000000, s2;
	s6 =	simm.s32 $0x108;
	_ =	swait.ge @!p0 [sflag:s8], $0x0  }
0x24: {  	s3 =	sadd.s32 $0x88, s3;
	s6 =	simm.s32 @!p1 $0x1082;
	[sflag:s4] =	ssyncset.s32 $0xFFFFF086  }
0x25: {  	[simem:s6], [sflag:s4] =	dma.local [hbm:s3], $0xF7A  }
0x26: {  	[smem:$0x3F9E] =	sst s1;
	(tag) =	ssettag s2;
	_ =	strace s9  }
0x27: {  	s1 =	sld [smem:$0x3FAE]  }
0x28: {  	s2 =	sld [smem:$0x3FAF]  }
0x29: {  	s4 =	sld [smem:$0x3FB1]  }
0x2a: {  	p0 =	seq.s32 s5, $0x0;
	s5 =	sld [smem:$0x3FB2]  }
0x2b: {  	s6 =	sld [smem:$0x3FB3]  }
0x2c: {  	s7 =	sld [smem:$0x3FB4]  }
0x2d: {  	s3 =	simm.s32 $0x108;
	s8 =	sld [smem:$0x3FB5]  }
0x2e: {  	s3 =	simm.s32 @!p0 $0x1082;
	s9 =	sld [smem:$0x3FB6]  }
0x2f: {  	lr =	sadd.s32 s0, s3;
	s0 =	sld [smem:$0x3FAD]  }
0x30: {  	s3 =	sld [smem:$0x3FB0]  }
0x31: {  	[smem:$0x3FB9] =	sst s10  }
0x32: {  	s10 =	sld [smem:$0x3FB7];
	_ =	sdelay $0x3  }
0x33: {  	p0 =	seq.s32 s10, $0x1;
	s10 =	sld [smem:$0x3FB9];
	_ =	sdelay $0x3  }
0x34: {  	[smem:$0x3FB9] =	sst s10  }
0x35: {  	s10 =	sld [smem:$0x3FB8];
	_ =	sdelay $0x3  }
0x36: {  	p1 =	seq.s32 s10, $0x1;
	s10 =	sld [smem:$0x3FB9];
	_ =	sdelay $0x3  }
0x37: {  	[smem:$0x3FB9] =	sst s10  }
0x38: {  	s10 =	sld [smem:$0x3FBA]  }
0x39: {  	_ = 	snop;
	(pc) =	sbr.ind lr, $3  }
0x3a: {  	_ = 	snop  }
0x3b: {  	_ = 	snop  }
0x3c: {  	p2 =	seq.s32 s10, $0x1;
	s10 =	sld [smem:$0x3FB9]  }
0x3d: {  	_ =	shalt  }
0x3e: {  	_ =	shalt  }
0x3f: {  	_ =	shalt  }
0x40: {  	_ =	shalt  }
0x41: {  	_ =	shalt  }
0x42: {  	_ =	shalt  }
0x43: {  	_ =	shalt  }
0x44: {  	_ =	shalt  }
0x45: {  	_ =	shalt  }
0x46: {  	_ =	shalt  }
0x47: {  	_ =	shalt  }
0x48: {  	_ =	shalt  }
0x49: {  	_ =	shalt  }
0x4a: {  	_ =	shalt  }
0x4b: {  	_ =	shalt  }
0x4c: {  	_ =	shalt  }
0x4d: {  	_ =	shalt  }
0x4e: {  	_ =	shalt  }
0x4f: {  	_ =	shalt  }
0x50: {  	_ =	shalt  }
0x51: {  	_ =	shalt  }
0x52: {  	_ =	shalt  }
0x53: {  	_ =	shalt  }
0x54: {  	_ =	shalt  }
0x55: {  	_ =	shalt  }
0x56: {  	_ =	shalt  }
0x57: {  	_ =	shalt  }
0x58: {  	_ =	shalt  }
0x59: {  	_ =	shalt  }
0x5a: {  	_ =	shalt  }
0x5b: {  	_ =	shalt  }
0x5c: {  	_ =	shalt  }
0x5d: {  	_ =	shalt  }
0x5e: {  	_ =	shalt  }
0x5f: {  	_ =	shalt  }
0x60: {  	_ =	shalt  }
0x61: {  	_ =	shalt  }
0x62: {  	_ =	shalt  }
0x63: {  	_ =	shalt  }
0x64: {  	_ =	shalt  }
0x65: {  	_ =	shalt  }
0x66: {  	_ =	shalt  }
0x67: {  	_ =	shalt  }
0x68: {  	_ =	shalt  }
0x69: {  	_ =	shalt  }
0x6a: {  	_ =	shalt  }
0x6b: {  	_ =	shalt  }
0x6c: {  	_ =	shalt  }
0x6d: {  	_ =	shalt  }
0x6e: {  	_ =	shalt  }
0x6f: {  	_ =	shalt  }
0x70: {  	_ =	shalt  }
0x71: {  	_ =	shalt  }
0x72: {  	_ =	shalt  }
0x73: {  	_ =	shalt  }
0x74: {  	_ =	shalt  }
0x75: {  	_ =	shalt  }
0x76: {  	_ =	shalt  }
0x77: {  	_ =	shalt  }
0x78: {  	_ =	shalt  }
0x79: {  	_ =	shalt  }
0x7a: {  	_ =	shalt  }
0x7b: {  	_ =	shalt  }
0x7c: {  	_ =	shalt  }
0x7d: {  	_ =	shalt  }
0x7e: {  	_ =	shalt  }
0x7f: {  	_ =	shalt  }
0x80: {  	_ =	shalt  }
0x81: {  	_ =	shalt  }
0x82: {  	_ =	shalt  }
0x83: {  	_ =	shalt  }
0x84: {  	_ =	shalt  }
0x85: {  	_ =	shalt  }
0x86: {  	_ =	shalt  }
0x87: {  	_ =	shalt  }
.Lfunc_end0:
.L_simem_size_0:
called_computation.1_lowered:
.L_overlay_start_0:
0x88: {  	s2 =	sld [smem:$0x3FD9]  }
0x89: {  	s3 =	sld [smem:$0x3FFE];
	_ =	sdelay $0x1  }
0x8a: {  	s1 =	srdreg.scid  }
0x8b: {  	s0 =	sand.u32 $0x1, s1  }
0x8c: {  	s17 =	sshll.u32 s0, $0xA;
	s2 =	sadd.s32 s3, s2  }
0x8d: {  	s2 =	sadd.s32 s2, s17  }
0x8e: {  	[smem:$0x3FC5] =	sst s2  }
0x8f: {  	_ = 	snop  }
0x90: {  	s2 =	sld [smem:$0x3FD0];
	(tm) =	ssettm $0x1  }
0x91: {  	s18 =	sld [smem:$0x3FFB];
	_ =	sdelay $0x3  }
0x92: {  	_ =	strace s18  }
0x93: {  	s3 =	sld [smem:$0x3FFC];
	_ =	sdelay $0x3  }
0x94: {  	_ =	strace s3  }
0x95: {  	s3 =	sld [smem:$0x3FFD];
	_ =	sdelay $0x3  }
0x96: {  	_ =	strace s3  }
0x97: {  	_ =	strace $0x8FFFFFFF  }
0x98: {  	s19 =	sld [smem:$0x3FDB];
	_ =	sdelay $0x1  }
0x99: {  	s4 =	simm.s32 $_scs_section_size  }
0x9a: {  	s5 =	simm.s32 $_size__tile_overlayer_lowered;
	s6 =	simm.s32 $_tile_overlayer_lowered  }
0x9b: {  	s22 =	simm.s32 $0x1BFF;
	s21 =	sshll.u32 s6, $0x1;
	s3 =	sadd.s32 s4, s19  }
0x9c: {  	s7 =	simm.s32 $0x0;
	s20 =	sshll.u32 s5, $0x1;
	s5 =	sadd.s32 s21, s3  }
0x9d: {  	[timem:s7], [sflag:s22] =	dma.local [hbm:s5], s20  }
0x9e: {  	_ =	swait.ge [sflag:s22], s20  }
0x9f: {  	s4 =	ssub.s32 $0x0, s20;
	[sflag:s22] =	ssyncset.done $0x0  }
0xa0: {  	[sflag:s22] =	ssyncadd.s32 s4;
	_ =	sdelay $0x1  }
0xa1: {  	s23 =	simm.s32 $0x1B8B  }
0xa2: {  	_ =	swait.ge [sflag:s23], $0x1  }
0xa3: {  	[sflag:s23] =	ssyncset.done $0x0  }
0xa4: {  	s25 =	simm.s32 $0x1B8E;
	s24 =	sld [smem:$0x3FFE];
	[sflag:s23] =	ssyncadd.s32 $0xFFFFFFFF  }
0xa5: {  	s26 =	simm.s32 $execute0_lowered;
	[smem:$0x3FD2] =	sst s25  }
0xa6: {  	s5 =	sshll.u32 s26, $0x1;
	_ =	strace $0x80000046;
	[dreg:$0x1] =	wrdreg $0xFFFFFFFF  }
0xa7: {  	s28 =	simm.s32 $_size_execute0_lowered;
	s3 =	sadd.s32 s3, s5;
	[dreg:$0x0] =	wrdreg $0x0  }
0xa8: {  	s5 =	sshll.u32 s28, $0x1;
	[dreg:$0x2] =	wrdreg s3  }
0xa9: {  	[dreg:$0x3] =	wrdreg s5  }
0xaa: {  	[dreg:$0x4] =	wrdreg $0xC0  }
0xab: {  	_ =	task [dreg:s7], $0x5FFFF  }
0xac: {  	[dreg:$0x1] =	wrdreg $0xFFFFFFFF  }
0xad: {  	[dreg:$0x0] =	wrdreg $0x60  }
0xae: {  	[dreg:$0x2] =	wrdreg s2  }
0xaf: {  	[dreg:$0x3] =	wrdreg s24  }
0xb0: {  	[dreg:$0x4] =	wrdreg $0x9  }
0xb1: {  	_ =	task.clear_ibuf [dreg:s7], $0x5FFFF;
	_ =	strace $0x90000046  }
0xb2: {  	s29 =	simm.s32 $0x9;
	_ =	strace $0x80000048  }
0xb3: {  	_ =	swait.ge [sflag:s29], $0x1  }
0xb4: {  	[sflag:s29] =	ssyncadd.s32 $0xFFFFFFFF  }
0xb5: {  	_ =	strace $0x90000048  }
0xb6: {  	_ =	sfence  }
0xb7: {  	s30 =	sld [smem:$0x0];
	_ =	sdelay $0x2  }
0xb8: {  	s31 =	sshll.u32 s1, $0xD;
	s1 =	sshrl.u32 s1, $0x2  }
0xb9: {  	s3 =	sand.u32 $0x4000, s31;
	s1 =	sadd.s32 s1, s30  }
0xba: {  	s0 =	sor.u32 s3, s0;
	s1 =	sshll.u32 s1, $0x11  }
0xbb: {  	s0 =	sor.u32 s1, s0  }
0xbc: {  	s0 =	sadd.s32 $0x8F2B, s0  }
0xbd: {  	[sflag:s0] =	ssyncadd.remote.s32 $0x1  }
0xbe: {  	_ =	sfence.sel $0xFFFF  }
0xbf: {  	[dreg:$0x0] =	wrdreg $0xFFFFFFFF;
	(pc) =	sbr.abs _section_cstart, $3  }
0xc0: {  	[dreg:$0x1] =	wrdreg $0xFFFFFFFF  }
0xc1: {  	_ =	task.clear_ibuf [dreg:s7], $0x2FFFF;
	_ =	strace $0x9FFFFFFF  }
0xc2: {  	(tm) =	ssettm $0x7FFFFFFF  }
0xc3: {  	_ =	shalt  }
tec
execute0_lowered:
.L_overlay_start_1:
0x0: {  	(tag) =	ssettag $0x1  }
0x1: {  	s7 =	rddreg [dreg:$0x0]  }
0x2: {  	s6 =	rddreg [dreg:$0x1]  }
0x3: {  	s0 =	rddreg [dreg:$0x2];
	s3 =	srdreg.scid  }
0x4: {  	s1 =	stileid.u32;
	s2 =	simm.s32 $0x0;
	s10 =	simm.s32 $0x1900  }
0x5: {  	s11 =	simm.s32 $0xC8;
	s12 =	simm.s32 $0x4B00;
	s13 =	simm.s32 $0xAF00  }
0x6: {  	s14 =	simm.s32 $0x1;
	s15 =	simm.s32 $0x3;
	s16 =	simm.s32 $0x2  }
0x7: {  	s17 =	simm.s32 $0x4;
	s3 =	sand.u32 $0x1, s3;
	s4 =	sshll.u32 s1, $0x1  }
0x8: {  	s18 =	simm.s32 $0x0;
	[smem:$0x7FF] =	sst s2;
	s4 =	sor.u32 s3, s4  }
0x9: {  	s5 =	sadd.s32 $0xF43000, s6;
	s8 =	ssub.s32 $0x2, s3;
	s3 =	smul.u32 $0x1900, s4  }
0xa: {  	_ =	strace $0x80000047;
	s4 =	sadd.s32 $0xF43800, s6;
	s9 =	sshrl.u32 s8, $0x1  }
0xb: {  	s6 =	sadd.s32 $0xC00, s6;
	s8 =	ssub.s32 s8, s9;
	s31 =	sshrl.u32 s3, $0x3  }
0xc: {  	s9 =	simm.s32 $0x5;
	s8 =	smax.u32 s8, $0x1;
	s7 =	sadd.s32 s7, s31  }
.LBB2_1:
0xd: {  	[tilespmem:s2], [sflag:$0x5] =	stream.linear.gather [hbm4b:s7+s2], $0x1900, $0x38;
	[tilespmem:$0x11300] =	vst v63  }
0xe: {  	_ =	swait.ge [sflag:s9], $0x1900  }
0xf: {  	[sflag:s9] =	ssyncset.done $0x0  }
0x10: {  	[sflag:s9] =	ssyncadd.s32 $0xFFFFE700  }
0x11: {  	[tilespmem:s10], [sflag:$0x5] =	stream.linear.gather [hbm4b:s5+s2], $0x3200, $0x38;
	[tilespmem:$0x11300] =	vst v63  }
0x12: {  	_ =	swait.ge [sflag:s9], $0x3200  }
0x13: {  	[sflag:s9] =	ssyncset.done $0x0  }
0x14: {  	s19 =	simm.s32 $0x0;
	[sflag:s9] =	ssyncadd.s32 $0xFFFFCE00  }
0x15: {  	[tilespmem:s12], [sflag:$0x1] =	stream.indirect.gather [hbm4b:s4+s11], $0x80, s2, s11, $0xb8;
	[tilespmem:$0x11300] =	vst v63  }
.LBB2_2:
0x16: {  	s20 =	sshll.u32 s19, $0x1;
	p0 =	seq.s32 s19, $0x0  }
0x17: {  	s21 =	simm.s32 @!p0 $0x4;
	s20 =	sor.u32 $0x1, s20  }
0x18: {  	_ =	swait.ge @!p0 [sflag:s21], $0x6400;
	s22 =	smul.u32 $0x320, s20  }
0x19: {  	[sflag:s21] =	ssyncset.done @!p0 $0x0  }
0x1a: {  	[sflag:s21] =	ssyncadd.s32 @!p0 $0xFFFF9C00;
	s31 =	sshra.s32 s22, $0x2  }
0x1b: {  	[tilespmem:s13], [sflag:$0x2] =	stream.indirect.gather [hbm4b:s4+s11], $0x80, s31, s11, $0xb8;
	[tilespmem:$0x11300] =	vst v63  }
0x1c: {  	_ =	swait.ge [sflag:s14], $0x6400  }
0x1d: {  	[sflag:s14] =	ssyncset.done $0x0  }
0x1e: {  	s21 =	simm.s32 $0x4C00;
	[sflag:s14] =	ssyncadd.s32 $0xFFFF9C00  }
0x1f: {  	s22 =	simm.s32 $0x1980;
	v0 =	vld [tilespmem:s21+$0x80]  }
0x20: {  	v1 =	vld [tilespmem:s22+$0x40]  }
0x21: {  	v2 =	vld [tilespmem:s21+$0xFFFFFF80]  }
0x22: {  	v3 =	vld [tilespmem:s22+$0xFFFFFFC0]  }
0x23: {  	v4 =	vld [tilespmem:s21+$0x0]  }
0x24: {  	v5 =	vld [tilespmem:s22+$0x0]  }
0x25: {  	v6 =	vld [tilespmem:s21+$0xFFFFFF00];
	v0 =	vadd.f32 v1, v0  }
0x26: {  	v1 =	vld [tilespmem:s22+$0xFFFFFF80]  }
0x27: {  	[tilespmem:s21+$0x80] =	vst v0;
	v0 =	vld [tilespmem:s21+$0x90]  }
0x28: {  	v2 =	vadd.f32 v3, v2;
	v3 =	vld [tilespmem:s22+$0x50]  }
0x29: {  	v7 =	vld [tilespmem:s21+$0xFFFFFF10]  }
0x2a: {  	[tilespmem:s21+$0xFFFFFF80] =	vst v2;
	v2 =	vadd.f32 v5, v4;
	v4 =	vld [tilespmem:s21+$0xFFFFFF90]  }
0x2b: {  	v5 =	vld [tilespmem:s22+$0xFFFFFFD0];
	v1 =	vadd.f32 v1, v6  }
0x2c: {  	[tilespmem:s21+$0x0] =	vst v2;
	v2 =	vld [tilespmem:s21+$0x10]  }
0x2d: {  	v6 =	vld [tilespmem:s22+$0x10];
	[tilespmem:s21+$0xFFFFFF00] =	vst v1;
	v0 =	vadd.f32 v3, v0  }
0x2e: {  	v1 =	vld [tilespmem:s22+$0xFFFFFF90]  }
0x2f: {  	[tilespmem:s21+$0x90] =	vst v0;
	v0 =	vld [tilespmem:s21+$0xA0]  }
0x30: {  	v3 =	vadd.f32 v5, v4;
	v4 =	vld [tilespmem:s22+$0x60]  }
0x31: {  	v5 =	vld [tilespmem:s21+$0xFFFFFF20]  }
0x32: {  	[tilespmem:s21+$0xFFFFFF90] =	vst v3;
	v2 =	vadd.f32 v6, v2;
	v3 =	vld [tilespmem:s21+$0xFFFFFFA0]  }
0x33: {  	v6 =	vld [tilespmem:s22+$0xFFFFFFE0];
	v1 =	vadd.f32 v1, v7  }
0x34: {  	[tilespmem:s21+$0x10] =	vst v2;
	v2 =	vld [tilespmem:s21+$0x20]  }
0x35: {  	v7 =	vld [tilespmem:s22+$0x20];
	[tilespmem:s21+$0xFFFFFF10] =	vst v1;
	v0 =	vadd.f32 v4, v0  }
0x36: {  	v4 =	vld [tilespmem:s22+$0xFFFFFFA0]  }
0x37: {  	v8 =	vld [tilespmem:s21+$0xB0];
	[tilespmem:s21+$0xA0] =	vst v0  }
0x38: {  	v1 =	vadd.f32 v6, v3;
	v6 =	vld [tilespmem:s22+$0x70]  }
0x39: {  	v0 =	vld [tilespmem:s21+$0xFFFFFF30]  }
0x3a: {  	[tilespmem:s21+$0xFFFFFFA0] =	vst v1;
	v2 =	vadd.f32 v7, v2;
	v1 =	vld [tilespmem:s21+$0xFFFFFFB0]  }
0x3b: {  	v3 =	vld [tilespmem:s22+$0xFFFFFFF0];
	v4 =	vadd.f32 v4, v5  }
0x3c: {  	[tilespmem:s21+$0x20] =	vst v2;
	v2 =	vld [tilespmem:s21+$0x30]  }
0x3d: {  	[tilespmem:s21+$0xFFFFFF20] =	vst v4;
	v4 =	vld [tilespmem:s22+$0x30];
	v6 =	vadd.f32 v6, v8  }
0x3e: {  	s23 =	simm.s32 $0x0;
	s24 =	simm.s32 $0x4E00;
	v5 =	vld [tilespmem:s22+$0xFFFFFFB0]  }
.LBB2_3:
0x3f: {  	v7 =	vld [tilespmem:s24+$0x80];
	[tilespmem:s21+$0xB0] =	vst v6;
	s22 =	sadd.s32 $0x100, s22  }
0x40: {  	s23 =	sadd.s32 $0x4, s23;
	v6 =	vld [tilespmem:s22+$0x40];
	v1 =	vadd.f32 v3, v1  }
0x41: {  	p0 =	slt.u32 s23, $0xC4;
	v3 =	vld [tilespmem:s22+$0xFFFFFF80]  }
0x42: {  	v8 =	vld [tilespmem:s24+$0xFFFFFF80];
	[tilespmem:s21+$0xFFFFFFB0] =	vst v1;
	v1 =	vadd.f32 v4, v2  }
0x43: {  	v2 =	vld [tilespmem:s22+$0xFFFFFFC0];
	v0 =	vadd.f32 v5, v0  }
0x44: {  	v4 =	vld [tilespmem:s24+$0x0];
	[tilespmem:s21+$0x30] =	vst v1  }
0x45: {  	v1 =	vld [tilespmem:s22+$0x0];
	v5 =	vadd.f32 v6, v7;
	[tilespmem:s21+$0xFFFFFF30] =	vst v0;
	s21 =	smov.u32 s24  }
0x46: {  	v0 =	vld [tilespmem:s24+$0xFFFFFF00]  }
0x47: {  	[tilespmem:s24+$0x80] =	vst v5;
	v5 =	vld [tilespmem:s24+$0x90]  }
0x48: {  	v2 =	vadd.f32 v2, v8;
	v6 =	vld [tilespmem:s22+$0x50]  }
0x49: {  	v7 =	vld [tilespmem:s24+$0xFFFFFF10]  }
0x4a: {  	[tilespmem:s24+$0xFFFFFF80] =	vst v2;
	v2 =	vld [tilespmem:s24+$0xFFFFFF90];
	v1 =	vadd.f32 v1, v4  }
0x4b: {  	v0 =	vadd.f32 v3, v0;
	v3 =	vld [tilespmem:s22+$0xFFFFFFD0]  }
0x4c: {  	[tilespmem:s24+$0x0] =	vst v1;
	v1 =	vld [tilespmem:s24+$0x10]  }
0x4d: {  	[tilespmem:s24+$0xFFFFFF00] =	vst v0;
	v0 =	vld [tilespmem:s22+$0x10];
	v4 =	vadd.f32 v6, v5  }
0x4e: {  	v5 =	vld [tilespmem:s22+$0xFFFFFF90]  }
0x4f: {  	[tilespmem:s24+$0x90] =	vst v4;
	v4 =	vld [tilespmem:s24+$0xA0]  }
0x50: {  	v2 =	vadd.f32 v3, v2;
	v3 =	vld [tilespmem:s22+$0x60]  }
0x51: {  	v6 =	vld [tilespmem:s24+$0xFFFFFF20]  }
0x52: {  	[tilespmem:s24+$0xFFFFFF90] =	vst v2;
	v2 =	vld [tilespmem:s24+$0xFFFFFFA0];
	v0 =	vadd.f32 v0, v1  }
0x53: {  	v1 =	vadd.f32 v5, v7;
	v5 =	vld [tilespmem:s22+$0xFFFFFFE0]  }
0x54: {  	[tilespmem:s24+$0x10] =	vst v0;
	v7 =	vld [tilespmem:s24+$0x20]  }
0x55: {  	[tilespmem:s24+$0xFFFFFF10] =	vst v1;
	v8 =	vld [tilespmem:s22+$0x20];
	v0 =	vadd.f32 v3, v4  }
0x56: {  	v3 =	vld [tilespmem:s22+$0xFFFFFFA0]  }
0x57: {  	[tilespmem:s24+$0xA0] =	vst v0;
	v9 =	vld [tilespmem:s24+$0xB0]  }
0x58: {  	v1 =	vadd.f32 v5, v2;
	v5 =	vld [tilespmem:s22+$0x70]  }
0x59: {  	v0 =	vld [tilespmem:s24+$0xFFFFFF30]  }
.Ltmp0:
0x5a: {  	[tilespmem:s24+$0xFFFFFFA0] =	vst v1;
	v1 =	vld [tilespmem:s24+$0xFFFFFFB0];
	v2 =	vadd.f32 v8, v7;
	(pc) =	sbr.rel @p0 .LBB2_3-.Ltmp0, $4  }
0x5b: {  	v4 =	vadd.f32 v3, v6;
	v3 =	vld [tilespmem:s22+$0xFFFFFFF0]  }
0x5c: {  	[tilespmem:s24+$0x20] =	vst v2;
	v2 =	vld [tilespmem:s24+$0x30]  }
0x5d: {  	[tilespmem:s24+$0xFFFFFF20] =	vst v4;
	v4 =	vld [tilespmem:s22+$0x30];
	v6 =	vadd.f32 v5, v9  }
0x5e: {  	s24 =	sadd.s32 $0x200, s24;
	v5 =	vld [tilespmem:s22+$0xFFFFFFB0]  }
0x5f: {  	_ =	sdelay $0x1  }
0x60: {  	s22 =	smul.u32 $0x190, s19;
	v1 =	vadd.f32 v3, v1  }
0x61: {  	[tilespmem:s21+$0xB0] =	vst v6;
	v2 =	vadd.f32 v4, v2  }
0x62: {  	s22 =	sadd.s32 s3, s22;
	[tilespmem:s21+$0xFFFFFFB0] =	vst v1;
	v0 =	vadd.f32 v5, v0  }
0x63: {  	p0 =	seq.s32 s19, $0xF;
	s22 =	sshll.u32 s22, $0x4;
	[tilespmem:s21+$0x30] =	vst v2  }
0x64: {  	s31 =	sadd.s32 s6, s22;
	[tilespmem:s21+$0xFFFFFF30] =	vst v0;
	s21 =	smul.u32 @!p0 $0x640, s19  }
0x65: {  	[hbm4b:s31+s2] =	stream.linear.scatter [tilespmem:s12], [sflag:$0x3], $0x6400, $0x38;
	[tilespmem:$0x11300] =	vst v63  }
0x66: {  	_ =	swait.ge [sflag:s15], $0x6400  }
0x67: {  	s23 =	simm.s32 @!p0 $0x4B00;
	s21 =	sshra.s32 @!p0 s21, $0x2;
	[sflag:s15] =	ssyncset.done $0x0  }
0x68: {  	s22 =	simm.s32 @!p0 $0xC8;
	s21 =	sadd.s32 @!p0 $0x190, s21;
	[sflag:s15] =	ssyncadd.s32 $0xFFFF9C00  }
0x69: {  	[tilespmem:s23], [sflag:$0x1] =	stream.indirect.gather @!p0 [hbm4b:s4+s22], $0x80, s21, s22, $0xb8;
	[tilespmem:$0x11300] =	vst v63  }
0x6a: {  	_ =	swait.ge [sflag:s16], $0x6400  }
0x6b: {  	[sflag:s16] =	ssyncset.done $0x0  }
0x6c: {  	s21 =	simm.s32 $0xB000;
	[sflag:s16] =	ssyncadd.s32 $0xFFFF9C00  }
0x6d: {  	s22 =	simm.s32 $0x1980;
	v0 =	vld [tilespmem:s21+$0x80]  }
0x6e: {  	v1 =	vld [tilespmem:s22+$0x40]  }
0x6f: {  	v2 =	vld [tilespmem:s21+$0xFFFFFF80]  }
0x70: {  	v3 =	vld [tilespmem:s22+$0xFFFFFFC0]  }
0x71: {  	v4 =	vld [tilespmem:s21+$0x0]  }
0x72: {  	v5 =	vld [tilespmem:s22+$0x0]  }
0x73: {  	v6 =	vld [tilespmem:s21+$0xFFFFFF00];
	v0 =	vadd.f32 v1, v0  }
0x74: {  	v1 =	vld [tilespmem:s22+$0xFFFFFF80]  }
0x75: {  	[tilespmem:s21+$0x80] =	vst v0;
	v0 =	vld [tilespmem:s21+$0x90]  }
0x76: {  	v2 =	vadd.f32 v3, v2;
	v3 =	vld [tilespmem:s22+$0x50]  }
0x77: {  	v7 =	vld [tilespmem:s21+$0xFFFFFF10]  }
0x78: {  	[tilespmem:s21+$0xFFFFFF80] =	vst v2;
	v2 =	vadd.f32 v5, v4;
	v4 =	vld [tilespmem:s21+$0xFFFFFF90]  }
0x79: {  	v5 =	vld [tilespmem:s22+$0xFFFFFFD0];
	v1 =	vadd.f32 v1, v6  }
0x7a: {  	[tilespmem:s21+$0x0] =	vst v2;
	v2 =	vld [tilespmem:s21+$0x10]  }
0x7b: {  	v6 =	vld [tilespmem:s22+$0x10];
	[tilespmem:s21+$0xFFFFFF00] =	vst v1;
	v0 =	vadd.f32 v3, v0  }
0x7c: {  	v1 =	vld [tilespmem:s22+$0xFFFFFF90]  }
0x7d: {  	[tilespmem:s21+$0x90] =	vst v0;
	v0 =	vld [tilespmem:s21+$0xA0]  }
0x7e: {  	v3 =	vadd.f32 v5, v4;
	v4 =	vld [tilespmem:s22+$0x60]  }
0x7f: {  	v5 =	vld [tilespmem:s21+$0xFFFFFF20]  }
0x80: {  	[tilespmem:s21+$0xFFFFFF90] =	vst v3;
	v2 =	vadd.f32 v6, v2;
	v3 =	vld [tilespmem:s21+$0xFFFFFFA0]  }
0x81: {  	v6 =	vld [tilespmem:s22+$0xFFFFFFE0];
	v1 =	vadd.f32 v1, v7  }
0x82: {  	[tilespmem:s21+$0x10] =	vst v2;
	v2 =	vld [tilespmem:s21+$0x20]  }
0x83: {  	v7 =	vld [tilespmem:s22+$0x20];
	[tilespmem:s21+$0xFFFFFF10] =	vst v1;
	v0 =	vadd.f32 v4, v0  }
0x84: {  	v4 =	vld [tilespmem:s22+$0xFFFFFFA0]  }
0x85: {  	v8 =	vld [tilespmem:s21+$0xB0];
	[tilespmem:s21+$0xA0] =	vst v0  }
0x86: {  	v1 =	vadd.f32 v6, v3;
	v6 =	vld [tilespmem:s22+$0x70]  }
0x87: {  	v0 =	vld [tilespmem:s21+$0xFFFFFF30]  }
0x88: {  	[tilespmem:s21+$0xFFFFFFA0] =	vst v1;
	v2 =	vadd.f32 v7, v2;
	v1 =	vld [tilespmem:s21+$0xFFFFFFB0]  }
0x89: {  	v3 =	vld [tilespmem:s22+$0xFFFFFFF0];
	v4 =	vadd.f32 v4, v5  }
0x8a: {  	[tilespmem:s21+$0x20] =	vst v2;
	v2 =	vld [tilespmem:s21+$0x30]  }
0x8b: {  	[tilespmem:s21+$0xFFFFFF20] =	vst v4;
	v4 =	vld [tilespmem:s22+$0x30];
	v6 =	vadd.f32 v6, v8  }
0x8c: {  	s24 =	simm.s32 $0xB200;
	s23 =	simm.s32 $0x0;
	v5 =	vld [tilespmem:s22+$0xFFFFFFB0]  }
.LBB2_5:
0x8d: {  	v7 =	vld [tilespmem:s24+$0x80];
	[tilespmem:s21+$0xB0] =	vst v6;
	s22 =	sadd.s32 $0x100, s22  }
0x8e: {  	s23 =	sadd.s32 $0x4, s23;
	v6 =	vld [tilespmem:s22+$0x40];
	v1 =	vadd.f32 v3, v1  }
0x8f: {  	p0 =	slt.u32 s23, $0xC4;
	v3 =	vld [tilespmem:s22+$0xFFFFFF80]  }
0x90: {  	v8 =	vld [tilespmem:s24+$0xFFFFFF80];
	[tilespmem:s21+$0xFFFFFFB0] =	vst v1;
	v1 =	vadd.f32 v4, v2  }
0x91: {  	v2 =	vld [tilespmem:s22+$0xFFFFFFC0];
	v0 =	vadd.f32 v5, v0  }
0x92: {  	v4 =	vld [tilespmem:s24+$0x0];
	[tilespmem:s21+$0x30] =	vst v1  }
0x93: {  	v1 =	vld [tilespmem:s22+$0x0];
	v5 =	vadd.f32 v6, v7;
	[tilespmem:s21+$0xFFFFFF30] =	vst v0;
	s21 =	smov.u32 s24  }
0x94: {  	v0 =	vld [tilespmem:s24+$0xFFFFFF00]  }
0x95: {  	[tilespmem:s24+$0x80] =	vst v5;
	v5 =	vld [tilespmem:s24+$0x90]  }
0x96: {  	v2 =	vadd.f32 v2, v8;
	v6 =	vld [tilespmem:s22+$0x50]  }
0x97: {  	v7 =	vld [tilespmem:s24+$0xFFFFFF10]  }
0x98: {  	[tilespmem:s24+$0xFFFFFF80] =	vst v2;
	v2 =	vld [tilespmem:s24+$0xFFFFFF90];
	v1 =	vadd.f32 v1, v4  }
0x99: {  	v0 =	vadd.f32 v3, v0;
	v3 =	vld [tilespmem:s22+$0xFFFFFFD0]  }
0x9a: {  	[tilespmem:s24+$0x0] =	vst v1;
	v1 =	vld [tilespmem:s24+$0x10]  }
0x9b: {  	[tilespmem:s24+$0xFFFFFF00] =	vst v0;
	v0 =	vld [tilespmem:s22+$0x10];
	v4 =	vadd.f32 v6, v5  }
0x9c: {  	v5 =	vld [tilespmem:s22+$0xFFFFFF90]  }
0x9d: {  	[tilespmem:s24+$0x90] =	vst v4;
	v4 =	vld [tilespmem:s24+$0xA0]  }
0x9e: {  	v2 =	vadd.f32 v3, v2;
	v3 =	vld [tilespmem:s22+$0x60]  }
0x9f: {  	v6 =	vld [tilespmem:s24+$0xFFFFFF20]  }
0xa0: {  	[tilespmem:s24+$0xFFFFFF90] =	vst v2;
	v2 =	vld [tilespmem:s24+$0xFFFFFFA0];
	v0 =	vadd.f32 v0, v1  }
0xa1: {  	v1 =	vadd.f32 v5, v7;
	v5 =	vld [tilespmem:s22+$0xFFFFFFE0]  }
0xa2: {  	[tilespmem:s24+$0x10] =	vst v0;
	v7 =	vld [tilespmem:s24+$0x20]  }
0xa3: {  	[tilespmem:s24+$0xFFFFFF10] =	vst v1;
	v8 =	vld [tilespmem:s22+$0x20];
	v0 =	vadd.f32 v3, v4  }
0xa4: {  	v3 =	vld [tilespmem:s22+$0xFFFFFFA0]  }
0xa5: {  	[tilespmem:s24+$0xA0] =	vst v0;
	v9 =	vld [tilespmem:s24+$0xB0]  }
0xa6: {  	v1 =	vadd.f32 v5, v2;
	v5 =	vld [tilespmem:s22+$0x70]  }
0xa7: {  	v0 =	vld [tilespmem:s24+$0xFFFFFF30]  }
.Ltmp1:
0xa8: {  	[tilespmem:s24+$0xFFFFFFA0] =	vst v1;
	v1 =	vld [tilespmem:s24+$0xFFFFFFB0];
	v2 =	vadd.f32 v8, v7;
	(pc) =	sbr.rel @p0 .LBB2_5-.Ltmp1, $4  }
0xa9: {  	v4 =	vadd.f32 v3, v6;
	v3 =	vld [tilespmem:s22+$0xFFFFFFF0]  }
0xaa: {  	[tilespmem:s24+$0x20] =	vst v2;
	v2 =	vld [tilespmem:s24+$0x30]  }
0xab: {  	[tilespmem:s24+$0xFFFFFF20] =	vst v4;
	v4 =	vld [tilespmem:s22+$0x30];
	v6 =	vadd.f32 v5, v9  }
0xac: {  	s24 =	sadd.s32 $0x200, s24;
	v5 =	vld [tilespmem:s22+$0xFFFFFFB0]  }
0xad: {  	_ = 	snop  }
0xae: {  	s20 =	smul.u32 $0xC8, s20;
	s19 =	sadd.s32 $0x1, s19  }
0xaf: {  	v1 =	vadd.f32 v3, v1;
	p0 =	sne.s32 s19, $0x10  }
.Ltmp2:
0xb0: {  	[tilespmem:s21+$0xB0] =	vst v6;
	s20 =	sadd.s32 s3, s20;
	v2 =	vadd.f32 v4, v2;
	(pc) =	sbr.rel @p0 .LBB2_2-.Ltmp2, $4  }
0xb1: {  	[tilespmem:s21+$0xFFFFFFB0] =	vst v1;
	s20 =	sshll.u32 s20, $0x4;
	v0 =	vadd.f32 v5, v0  }
0xb2: {  	s20 =	sand.u32 $0x1FFFFF80, s20;
	[tilespmem:s21+$0x30] =	vst v2  }
0xb3: {  	s20 =	sadd.s32 s6, s20;
	[tilespmem:s21+$0xFFFFFF30] =	vst v0  }
0xb4: {  	[hbm4b:s20+s2] =	stream.linear.scatter [tilespmem:s13], [sflag:$0x4], $0x6400, $0x38;
	[tilespmem:$0x11300] =	vst v63  }
0xb5: {  	s18 =	sadd.s32 $0x1, s18  }
0xb6: {  	p0 =	sne.s32 s18, s8  }
.Ltmp3:
0xb7: {  	_ = 	snop;
	(pc) =	sbr.rel @p0 .LBB2_1-.Ltmp3, $4  }
0xb8: {  	_ = 	snop  }
0xb9: {  	_ =	swait.ge [sflag:s17], $0x6400  }
0xba: {  	[sflag:s17] =	ssyncset.done $0x0  }
0xbb: {  	[sflag:s17] =	ssyncadd.s32 $0xFFFF9C00  }
0xbc: {  	_ =	sfence.sel $0x180000  }
0xbd: {  	[bflag:$0x0] =	sbarrier.arrive $0xFFFF  }
0xbe: {  	p0 =	sne.s32 s1, $0x0;
	_ =	strace $0x90000047  }
0xbf: {  	s0 =	sadd.s32 @!p0 $0x100000, s0;
	[bflag:$0x2] =	sbarrier.arrive $0xFFFF  }
0xc0: {  	[sflag:s0] =	ssyncadd.tile.s32 @!p0 $0x1;
	_ =	shalt  }
.Lfunc_end2:
_tile_overlayer_lowered:
.L_overlay_start_2:
0xc1: {  	(tag) =	ssettag $0x2  }
0xc2: {  	s0 =	rddreg [dreg:$0x0];
	s2 =	stileid.u32  }
0xc3: {  	s1 =	rddreg [dreg:$0x1];
	p0 =	sne.s32 s2, $0x0  }
0xc4: {  	s3 =	rddreg [dreg:$0x2];
	[bflag:$0x3] =	sbarrier.arrive $0xFFFF;
	s2 =	simm.s32 @!p0 $0x1C05  }
0xc5: {  	[timem:s3], [sflag:s2] =	dma.local @!p0 [hbm:s0], s1  }
0xc6: {  	s0 =	simm.s32 @!p0 $0x5  }
0xc7: {  	_ =	swait.ge @!p0 [sflag:s0], s1  }
0xc8: {  	s1 =	ssub.s32 @!p0 $0x0, s1;
	[sflag:s0] =	ssyncset.done @!p0 $0x0  }
0xc9: {  	[sflag:s0] =	ssyncadd.s32 @!p0 s1  }
0xca: {  	[bflag:$0x3] =	sbarrier.arrive $0xFFFF  }
0xcb: {  	_ =	shalt  }

// kernel: sparse-core-data-format-call.cloned.1.call-start
scs
called_computation_lowered:
.L_overlay_start_0:
0x0: {  	s2 =	sld [smem:$0x3FD9]  }
0x1: {  	s3 =	sld [smem:$0x3FFE];
	_ =	sdelay $0x1  }
0x2: {  	s1 =	srdreg.scid  }
0x3: {  	s0 =	sand.u32 $0x1, s1  }
0x4: {  	s18 =	sshll.u32 s0, $0xA;
	s2 =	sadd.s32 s3, s2  }
0x5: {  	s2 =	sadd.s32 s2, s18  }
0x6: {  	[smem:$0x3FC5] =	sst s2  }
0x7: {  	_ = 	snop  }
0x8: {  	s2 =	sld [smem:$0x3FD0];
	(tm) =	ssettm $0x1  }
0x9: {  	s19 =	sld [smem:$0x3FFB];
	_ =	sdelay $0x3  }
0xa: {  	_ =	strace s19  }
0xb: {  	s3 =	sld [smem:$0x3FFC];
	_ =	sdelay $0x3  }
0xc: {  	_ =	strace s3  }
0xd: {  	s3 =	sld [smem:$0x3FFD];
	_ =	sdelay $0x3  }
0xe: {  	_ =	strace s3  }
0xf: {  	_ =	strace $0x8FFFFFFF  }
0x10: {  	s20 =	sld [smem:$0x3FDB];
	_ =	sdelay $0x1  }
0x11: {  	s4 =	simm.s32 $_scs_section_size  }
0x12: {  	s5 =	simm.s32 $_size__tile_overlayer_lowered;
	s6 =	simm.s32 $_tile_overlayer_lowered  }
0x13: {  	s23 =	simm.s32 $0x1BFF;
	s22 =	sshll.u32 s6, $0x1;
	s3 =	sadd.s32 s4, s20  }
0x14: {  	s7 =	simm.s32 $0x0;
	s21 =	sshll.u32 s5, $0x1;
	s5 =	sadd.s32 s22, s3  }
0x15: {  	[timem:s7], [sflag:s23] =	dma.local [hbm:s5], s21  }
0x16: {  	_ =	swait.ge [sflag:s23], s21  }
0x17: {  	s4 =	ssub.s32 $0x0, s21;
	[sflag:s23] =	ssyncset.done $0x0  }
0x18: {  	[sflag:s23] =	ssyncadd.s32 s4;
	_ =	sdelay $0x1  }
0x19: {  	s24 =	simm.s32 $0x1B8B  }
0x1a: {  	_ =	swait.ge [sflag:s24], $0x1  }
0x1b: {  	[sflag:s24] =	ssyncset.done $0x0  }
0x1c: {  	s26 =	simm.s32 $0x1B8E;
	s25 =	sld [smem:$0x3FFE];
	[sflag:s24] =	ssyncadd.s32 $0xFFFFFFFF  }
0x1d: {  	s27 =	simm.s32 $execute0_lowered;
	[smem:$0x3FD2] =	sst s26  }
0x1e: {  	s5 =	sshll.u32 s27, $0x1;
	_ =	strace $0x80000049;
	[dreg:$0x1] =	wrdreg $0xFFFFFFFF  }
0x1f: {  	s28 =	simm.s32 $_size_execute0_lowered;
	s3 =	sadd.s32 s3, s5;
	[dreg:$0x0] =	wrdreg $0x0  }
0x20: {  	s5 =	sshll.u32 s28, $0x1;
	[dreg:$0x2] =	wrdreg s3  }
0x21: {  	[dreg:$0x3] =	wrdreg s5  }
0x22: {  	[dreg:$0x4] =	wrdreg $0xC0  }
0x23: {  	_ =	task [dreg:s7], $0x5FFFF  }
0x24: {  	[dreg:$0x1] =	wrdreg $0xFFFFFFFF  }
0x25: {  	[dreg:$0x0] =	wrdreg $0x60  }
0x26: {  	[dreg:$0x2] =	wrdreg s25  }
0x27: {  	[dreg:$0x3] =	wrdreg s2  }
0x28: {  	[dreg:$0x4] =	wrdreg $0x9  }
0x29: {  	_ =	task.clear_ibuf [dreg:s7], $0x5FFFF;
	_ =	strace $0x90000049  }
0x2a: {  	s29 =	simm.s32 $0x9;
	_ =	strace $0x8000004B  }
0x2b: {  	_ =	swait.ge [sflag:s29], $0x1  }
0x2c: {  	[sflag:s29] =	ssyncadd.s32 $0xFFFFFFFF  }
0x2d: {  	_ =	strace $0x9000004B  }
0x2e: {  	_ =	sfence  }
0x2f: {  	s30 =	sld [smem:$0x0];
	_ =	sdelay $0x2  }
0x30: {  	s31 =	sshll.u32 s1, $0xD;
	s1 =	sshrl.u32 s1, $0x2  }
0x31: {  	s3 =	sand.u32 $0x4000, s31;
	s1 =	sadd.s32 s1, s30  }
0x32: {  	s0 =	sor.u32 s3, s0;
	s1 =	sshll.u32 s1, $0x11  }
0x33: {  	s0 =	sor.u32 s1, s0  }
0x34: {  	s0 =	sadd.s32 $0x8F2B, s0  }
0x35: {  	[sflag:s0] =	ssyncadd.remote.s32 $0x1  }
0x36: {  	_ =	sfence.sel $0xFFFF  }
0x37: {  	[dreg:$0x0] =	wrdreg $0xFFFFFFFF;
	(pc) =	sbr.abs _section_cstart, $3  }
0x38: {  	[dreg:$0x1] =	wrdreg $0xFFFFFFFF  }
0x39: {  	_ =	task.clear_ibuf [dreg:s7], $0x2FFFF;
	_ =	strace $0x9FFFFFFF  }
0x3a: {  	(tm) =	ssettm $0x7FFFFFFF  }
0x3b: {  	_ =	shalt  }
tec
execute0_lowered:
.L_overlay_start_1:
0x0: {  	(tag) =	ssettag $0x1  }
0x1: {  	s0 =	stileid.u32;
	s6 =	rddreg [dreg:$0x0]  }
0x2: {  	s2 =	rddreg [dreg:$0x1];
	s5 =	srdreg.scid  }
0x3: {  	s31 =	simm.s32 $0x2;
	s13 =	simm.s32 $0x0;
	s1 =	sshll.u32 s0, $0x7  }
0x4: {  	s14 =	simm.s32 $0x0;
	s12 =	simm.s32 $0x0;
	s3 =	sand.u32 $0x380, s1  }
0x5: {  	s5 =	sshll.u32 s5, $0x4;
	s6 =	sadd.s32 $0xC00, s6;
	s4 =	ssub.s32 $0x400, s3  }
0x6: {  	s1 =	rddreg [dreg:$0x2];
	_ =	strace $0x8000004A;
	s7 =	sand.u32 $0x380, s4  }
0x7: {  	s5 =	sand.u32 $0x10, s5;
	p0 =	sne.s32 s7, $0x0;
	s7 =	simm.s32 $0x1  }
.Ltmp0:
0x8: {  	s8 =	sshrl.u32 s4, $0xA;
	s7 =	simm.s32 @!p0 $0x0;
	(pc) =	sbr.rel .LBB1_1-.Ltmp0, $4  }
0x9: {  	s9 =	sor.u32 s0, s5;
	s4 =	simm.s32 $0x1;
	s30 =	sadd.s32 s7, s8  }
0xa: {  	s11 =	smov.u32 s3;
	[sflag:s4] =	ssyncpa.u1 $0x0;
	s5 =	smul.u32 $0x32, s30  }
0xb: {  	[sflag:s31] =	ssyncpa.u1 $0x0;
	p0 =	por $0x0, $0x0;
	s7 =	sshrl.u32 s9, $0x3  }
0xc: {  	s9 =	simm.s32 $0x2000;
	s10 =	smov.u32 s7;
	s8 =	sor.u32 $0x1, s5  }
.LBB1_4:
0xd: {  	s17 =	sand.u32 $0x1F80, s14;
	s13 =	sshll.u32 s13, $0xD  }
0xe: {  	[tilespmem:s16+$0x810 ss:$0x81] =	vst.msk $0xffff, v2;
	s18 =	sshrl.u32 s14, $0x3;
	s31 =	sand.u32 $0x7, s14;
	s17 =	sadd.s32 s2, s17  }
0xf: {  	[tilespmem:s16+$0x1020 ss:$0x81] =	vst.msk $0xffff, v0;
	s18 =	sand.u32 $0xF, s18;
	s14 =	sshll.u32 s31, $0x12;
	s13 =	sadd.s32 s13, s17  }
0x10: {  	[tilespmem:s16+$0x0 ss:$0x81] =	vst.msk $0xffff, v1;
	s14 =	sor.u32 $0x400, s14;
	s13 =	sadd.s32 s18, s13  }
0x11: {  	[hbm4b:s13+s14] =	stream.strided.scatter [tilespmem:s15], [sflag:$0x2], $0x2000, s9, s14, $0x20;
	[tilespmem:$0x8080] =	vst v63  }
.LBB1_5:
0x12: {  	s15 =	sadd.s32 $0x4, s10  }
0x13: {  	s13 =	sadd.s32 $0x400, s11;
	s17 =	smov.u32 s11;
	p2 =	sgt.s32 s15, $0xC7  }
0x14: {  	s17 =	smov.u32 @p2 s13  }
0x15: {  	s15 =	smov.u32 @p2 s7;
	p2 =	sgt.s32 s17, $0x3FF  }
0x16: {  	s17 =	smov.u32 @p2 s3;
	p2 =	sne.s32 s12, s8  }
.Ltmp1:
0x17: {  	p1 =	slt.u32 s12, $0x2;
	(pc) =	sbr.rel @!p2 .LBB1_6-.Ltmp1, $4  }
0x18: {  	s16 =	simm.s32 @!p1 $0x2  }
0x19: {  	s14 =	smov.u32 s11;
	p0 =	por !p0, !p0;
	_ =	swait.ge @!p1 [sflag:s16], $0x2000  }
0x1a: {  	s13 =	smov.u32 s10;
	[sflag:s16] =	ssyncset.done @!p1 $0x0;
	s10 =	smov.u32 s15  }
0x1b: {  	s12 =	sadd.s32 $0x1, s12;
	[sflag:s16] =	ssyncadd.s32 @!p1 $0xFFFFE000;
	s11 =	smov.u32 s17  }
.LBB1_1:
0x1c: {  	p1 =	sge.u32 s12, s5  }
0x1d: {  	s15 =	sand.u32 @!p1 $0x1FFFFFF, s10  }
0x1e: {  	s16 =	smulhi.u32 @!p1 $0x147AE15, s15;
	_ =	sdelay $0x1  }
0x1f: {  	s16 =	smul.u32 @!p1 $0xC8, s16  }
0x20: {  	s17 =	sxor.u32 @!p1 $0xFFFFFFFF, s12;
	s18 =	smul.u32 @!p1 $0xC80, s11  }
0x21: {  	s31 =	sadd.s32 $0xFFFFFFFF, s12;
	s17 =	sshll.u32 @!p1 s17, $0xD;
	s15 =	ssub.s32 @!p1 s15, s16  }
0x22: {  	s16 =	sand.u32 @!p1 $0x2000, s17;
	s17 =	sadd.s32 @!p1 s6, s18;
	s15 =	sshll.u32 @!p1 s15, $0x4  }
0x23: {  	s18 =	simm.s32 @!p1 $0x6400;
	s15 =	sadd.s32 @!p1 s15, s17;
	s17 =	simm.s32 @!p1 $0x40  }
0x24: {  	[tilespmem:s16], [sflag:$0x1] =	stream.strided.gather @!p1 [hbm4b:s15+s17], $0x2000, s18, s17, $0x38;
	[tilespmem:$0x8080] =	vst v63  }
0x25: {  	p1 =	sge.u32 s31, s5  }
.Ltmp2:
0x26: {  	_ = 	snop;
	(pc) =	sbr.rel @p1 .LBB1_5-.Ltmp2, $1  }
0x27: {  	_ =	sdelay $0x3  }
0x28: {  	s15 =	simm.s32 $0x1  }
0x29: {  	_ =	swait.ge [sflag:s4], $0x2000;
	s15 =	simm.s32 @!p0 $0x0  }
0x2a: {  	[sflag:s4] =	ssyncset.done $0x0;
	s16 =	sshll.u32 s15, $0xD  }
0x2b: {  	[sflag:s4] =	ssyncadd.s32 $0xFFFFE000;
	s19 =	sor.u32 $0x20, s16  }
0x2c: {  	s15 =	smul.u32 $0x8100, s15;
	v3 =	vld [tilespmem:s19+$0x10]  }
0x2d: {  	s30 =	sand.u32 $0x1, s12;
	v2 =	vld [tilespmem:s19+$0xFFFFFFF0]  }
0x2e: {  	s16 =	smul.u32 $0x8100, s30;
	s15 =	sshrl.u32 s15, $0x2;
	v0 =	vld [tilespmem:s19+$0x0]  }
0x2f: {  	v1 =	vld [tilespmem:s19+$0xFFFFFFE0];
	s17 =	sor.u32 $0x4000, s15  }
0x30: {  	s31 =	sshrl.u32 s16, $0x2;
	s16 =	sadd.s32 $0x0, s17  }
0x31: {  	s18 =	simm.s32 $0x4;
	s19 =	sadd.s32 $0x40, s19;
	s15 =	sor.u32 $0x4000, s31;
	[tilespmem:s16+$0x1830 ss:$0x81] =	vst.msk $0xffff, v3  }
.LBB1_3:
0x32: {  	v3 =	vld [tilespmem:s19+$0x10];
	p1 =	sne.s32 s18, $0x1FC;
	[tilespmem:s16+$0x810 ss:$0x81] =	vst.msk $0xffff, v2;
	s20 =	smov.u32 s18;
	s18 =	sadd.s32 $0x4, s18  }
.Ltmp3:
0x33: {  	v2 =	vld [tilespmem:s19+$0xFFFFFFF0];
	[tilespmem:s16+$0x1020 ss:$0x81] =	vst.msk $0xffff, v0;
	(pc) =	sbr.rel @p1 .LBB1_3-.Ltmp3, $4  }
0x34: {  	v0 =	vld [tilespmem:s19+$0x0];
	[tilespmem:s16+$0x0 ss:$0x81] =	vst.msk $0xffff, v1  }
0x35: {  	s16 =	sshra.s32 s20, $0x2;
	v1 =	vld [tilespmem:s19+$0xFFFFFFE0]  }
0x36: {  	s16 =	sadd.s32 s16, s17  }
0x37: {  	s19 =	sadd.s32 $0x40, s19;
	[tilespmem:s16+$0x1830 ss:$0x81] =	vst.msk $0xffff, v3  }
.Ltmp4:
0x38: {  	_ = 	snop;
	(pc) =	sbr.rel .LBB1_4-.Ltmp4, $1  }
0x39: {  	_ =	sdelay $0x3  }
.LBB1_6:
0x3a: {  	_ =	sfence.sel $0x180000  }
0x3b: {  	s2 =	simm.s32 $0x1;
	[bflag:$0x0] =	sbarrier.arrive $0xFFFF  }
0x3c: {  	s31 =	simm.s32 $0x2;
	[sflag:s2] =	ssyncpa.u1 $0x1  }
0x3d: {  	[sflag:s31] =	ssyncpa.u1 $0x1  }
0x3e: {  	p0 =	sne.s32 s0, $0x0;
	_ =	strace $0x9000004A  }
0x3f: {  	s0 =	sadd.s32 @!p0 $0x100000, s1;
	[bflag:$0x2] =	sbarrier.arrive $0xFFFF  }
0x40: {  	[sflag:s0] =	ssyncadd.tile.s32 @!p0 $0x1;
	_ =	shalt  }
.Lfunc_end1:
_tile_overlayer_lowered:
.L_overlay_start_2:
0x41: {  	(tag) =	ssettag $0x2  }
0x42: {  	s0 =	rddreg [dreg:$0x0];
	s2 =	stileid.u32  }
0x43: {  	s1 =	rddreg [dreg:$0x1];
	p0 =	sne.s32 s2, $0x0  }
0x44: {  	s3 =	rddreg [dreg:$0x2];
	[bflag:$0x3] =	sbarrier.arrive $0xFFFF;
	s2 =	simm.s32 @!p0 $0x1C01  }
0x45: {  	[timem:s3], [sflag:s2] =	dma.local @!p0 [hbm:s0], s1  }
0x46: {  	s0 =	simm.s32 @!p0 $0x1  }
0x47: {  	_ =	swait.ge @!p0 [sflag:s0], s1  }
0x48: {  	s1 =	ssub.s32 @!p0 $0x0, s1;
	[sflag:s0] =	ssyncset.done @!p0 $0x0  }
0x49: {  	[sflag:s0] =	ssyncadd.s32 @!p0 s1  }
0x4a: {  	[bflag:$0x3] =	sbarrier.arrive $0xFFFF  }
0x4b: {  	_ =	shalt  }

</sc_bundles>
